<compile_context>
chip_gen: v7x
topology: tpu7x:2x2x1
jax: 0.10.2.dev20260603
libtpu: 0.0.44.dev20260713+nightly
codegen_flags: <defaults>
</compile_context>

<pallas_src>
import dataclasses
import functools

import jax
import jax.numpy as jnp
from jax import lax
from jax.experimental import pallas as pl
from jax.experimental.pallas import tpu as pltpu
from jax.experimental.pallas import tpu_sc as plsc

NBINS = 1024
LANES = 16
NSUB = 16
NCORES = 2
NW = NCORES * NSUB
NROWS = NBINS // LANES
BLK = 8192


def _minmax_body(p_ref, t_ref, o_ref, f_ref, *, grid):
    @pl.when(pl.program_id(0) == 0)
    def _():
        o_ref[0:1, :] = jnp.full((1, 128), jnp.inf, jnp.float32)
        o_ref[1:2, :] = jnp.full((1, 128), -jnp.inf, jnp.float32)

    p = p_ref[...]
    t = t_ref[...]
    bmin = jnp.minimum(jnp.min(p, axis=0, keepdims=True),
                       jnp.min(t, axis=0, keepdims=True))
    bmax = jnp.maximum(jnp.max(p, axis=0, keepdims=True),
                       jnp.max(t, axis=0, keepdims=True))
    o_ref[0:1, :] = jnp.minimum(o_ref[0:1, :], bmin)
    o_ref[1:2, :] = jnp.maximum(o_ref[1:2, :], bmax)

    @pl.when(pl.program_id(0) == grid - 1)
    def _():
        mn = jnp.min(o_ref[0:1, :])
        mx = jnp.max(o_ref[1:2, :])
        scale = jnp.float32(NBINS) / (mx - mn)
        f_ref[0:1, :] = jnp.full((1, 128), mn, jnp.float32)
        f_ref[1:2, :] = jnp.full((1, 128), scale, jnp.float32)


def _minmax_tc(p2, t2):
    rows = p2.shape[0]
    grid = 8
    br = rows // grid
    return pl.pallas_call(
        functools.partial(_minmax_body, grid=grid),
        grid=(grid,),
        in_specs=[pl.BlockSpec((br, 128), lambda i: (i, 0)),
                  pl.BlockSpec((br, 128), lambda i: (i, 0))],
        out_specs=[pl.BlockSpec((2, 128), lambda i: (0, 0)),
                   pl.BlockSpec((2, 128), lambda i: (0, 0))],
        out_shape=[jax.ShapeDtypeStruct((2, 128), jnp.float32),
                   jax.ShapeDtypeStruct((2, 128), jnp.float32)],
    )(p2, t2)[1]


def _hist_sc(y_pred, y_true, mm):
    n = y_pred.shape[0]
    per_tile = n // NW
    nblk = per_tile // BLK
    assert per_tile * NW == n and nblk * BLK == per_tile and nblk % 2 == 0

    mesh = plsc.VectorSubcoreMesh(core_axis_name="c", subcore_axis_name="s")

    cp = pltpu.CompilerParams()
    if "needs_layout_passes" in pltpu.CompilerParams.__dataclass_fields__:
        cp = dataclasses.replace(cp, needs_layout_passes=False)

    @functools.partial(
        pl.kernel,
        out_type=jax.ShapeDtypeStruct((NW, NBINS), jnp.float32),
        mesh=mesh,
        compiler_params=cp,
        scratch_types=[
            pltpu.VMEM((BLK,), jnp.float32),
            pltpu.VMEM((BLK,), jnp.float32),
            pltpu.VMEM((BLK,), jnp.float32),
            pltpu.VMEM((BLK,), jnp.float32),
            pltpu.VMEM((NBINS,), jnp.float32),
            pltpu.VMEM((NBINS,), jnp.float32),
            pltpu.VMEM((2, 128), jnp.float32),
            pltpu.SemaphoreType.DMA,
            pltpu.SemaphoreType.DMA,
            pltpu.SemaphoreType.DMA,
            pltpu.SemaphoreType.DMA,
        ],
    )
    def k(pred_hbm, true_hbm, mm_hbm, out_hbm,
          bufpA, bufpB, buftA, buftB, hist, cum, mmv,
          sempA, sempB, semtA, semtB):
        cid = lax.axis_index("c")
        sid = lax.axis_index("s")
        wid = cid * NSUB + sid

        @pl.loop(0, NBINS, step=LANES)
        def _(j):
            hist[pl.ds(j, LANES)] = jnp.zeros((LANES,), jnp.float32)

        pltpu.sync_copy(mm_hbm, mmv)
        mn = mmv[0, pl.ds(0, LANES)][0]
        scale = mmv[1, pl.ds(0, LANES)][0]

        base = wid * per_tile
        ones = jnp.full((LANES,), 1.0, jnp.float32)
        negones = jnp.full((LANES,), -1.0, jnp.float32)

        def issue(b, bufp, buft, semp, semt):
            off = base + b * BLK
            pltpu.async_copy(pred_hbm.at[pl.ds(off, BLK)], bufp, semp)
            pltpu.async_copy(true_hbm.at[pl.ds(off, BLK)], buft, semt)

        def wait(bufp, buft, semp, semt):
            pltpu.make_async_copy(pred_hbm.at[pl.ds(0, BLK)], bufp, semp).wait()
            pltpu.make_async_copy(true_hbm.at[pl.ds(0, BLK)], buft, semt).wait()

        def bin_block(buf, vals):
            @plsc.parallel_loop(0, BLK, LANES, unroll=8)
            def _(i):
                x = buf[pl.ds(i, LANES)]
                idx = jnp.minimum(((x - mn) * scale).astype(jnp.int32),
                                  NBINS - 1)
                plsc.addupdate_scatter(hist, [idx], vals)

        issue(0, bufpA, buftA, sempA, semtA)

        @pl.loop(0, nblk, step=2)
        def _(b):
            wait(bufpA, buftA, sempA, semtA)
            issue(b + 1, bufpB, buftB, sempB, semtB)
            bin_block(bufpA, ones)
            bin_block(buftA, negones)
            wait(bufpB, buftB, sempB, semtB)

            @pl.when(b + 2 < nblk)
            def _():
                issue(b + 2, bufpA, buftA, sempA, semtA)

            bin_block(bufpB, ones)
            bin_block(buftB, negones)

        def body(j, carry):
            chunk = hist[pl.ds(j * LANES, LANES)]
            cum[pl.ds(j * LANES, LANES)] = plsc.cumsum(chunk) + carry
            return carry + jnp.sum(chunk)

        lax.fori_loop(0, NROWS, body, jnp.float32(0.0))
        pltpu.sync_copy(cum, out_hbm.at[wid])

    return k(y_pred, y_true, mm)


def _cdf_body(c_ref, o_ref, *, inv_n):
    d = jnp.sum(c_ref[...], axis=0, keepdims=True)
    o_ref[0] = jnp.sum(jnp.abs(d)) * inv_n


def _cdf_tc(parts, n):
    return pl.pallas_call(
        functools.partial(_cdf_body, inv_n=1.0 / n),
        out_specs=pl.BlockSpec(memory_space=pltpu.SMEM),
        out_shape=jax.ShapeDtypeStruct((1,), jnp.float32),
    )(parts)


def kernel(y_pred, y_true):
    y_pred = y_pred.reshape(-1)
    y_true = y_true.reshape(-1)
    n = y_pred.shape[0]
    mm = _minmax_tc(y_pred.reshape(-1, 128), y_true.reshape(-1, 128))
    parts = _hist_sc(y_pred, y_true, mm)
    out = _cdf_tc(parts.reshape(NW, NBINS), n)
    return out[0]

# --- scband reference (transcript-rebuilt; emitter-appended) ---
"""Pipeline reference for scband-wasserstein-loss-59407987638387 (READ-ONLY COPY).

The authoritative reference and input builder live on the scoring server;
editing this copy changes nothing except your own understanding.
"""

import jax, jax.numpy as jnp
import numpy as np

NUM_BINS = 1024
N = 8388608

def setup_inputs(seed: int = 0) -> dict:
    key = jax.random.key(seed)
    k1, k2 = jax.random.split(key)
    y_pred = jax.random.normal(k1, (N,), dtype=jnp.float32)
    y_true = jax.random.normal(k2, (N,), dtype=jnp.float32)
    return {"y_pred": y_pred, "y_true": y_true}

def _histc(x, min_val, max_val, num_bins):
    # torch.histc semantics: num_bins equal-width bins over [min, max];
    # values equal to max fall in the last bin. Here min/max are the data
    # extrema so every element is in range.
    scale = jnp.float32(num_bins) / (max_val - min_val)
    idx = jnp.floor((x - min_val) * scale).astype(jnp.int32)
    idx = jnp.clip(idx, 0, num_bins - 1)
    return jnp.zeros((num_bins,), dtype=jnp.float32).at[idx].add(1.0)

def reference(y_pred, y_true):
    y_pred = y_pred.reshape(-1)
    y_true = y_true.reshape(-1)
    bsz = y_pred.shape[0]
    # .item() in torch detaches; mimic with stop_gradient
    min_val = jax.lax.stop_gradient(jnp.minimum(jnp.min(y_pred), jnp.min(y_true)))
    max_val = jax.lax.stop_gradient(jnp.maximum(jnp.max(y_pred), jnp.max(y_true)))
    hist_pred = _histc(y_pred, min_val, max_val, NUM_BINS)
    hist_true = _histc(y_true, min_val, max_val, NUM_BINS)
    cdf_pred = jnp.cumsum(hist_pred) / bsz
    cdf_true = jnp.cumsum(hist_true) / bsz
    return jnp.sum(jnp.abs(cdf_pred - cdf_true))

if __name__ == "__main__":
    import jax
    _d = setup_inputs()
    print(jax.jit(kernel)(*tuple(_d.values())))

</pallas_src>

<mosaic_0001>
#map = affine_map<(d0, d1) -> (0)>
#map1 = affine_map<(d0, d1) -> (0, 0)>
module attributes {stable_mosaic.version = 14 : i64} {
  func.func @k(%arg0: i32, %arg1: i32, %arg2: memref<8388608xf32, #tpu.memory_space<hbm>>, %arg3: memref<8388608xf32, #tpu.memory_space<hbm>>, %arg4: memref<2x128xf32, #tpu.memory_space<hbm>>, %arg5: memref<32x1024xf32, #tpu.memory_space<hbm>>, %arg6: memref<8192xf32, #tpu.memory_space<vmem>>, %arg7: memref<8192xf32, #tpu.memory_space<vmem>>, %arg8: memref<8192xf32, #tpu.memory_space<vmem>>, %arg9: memref<8192xf32, #tpu.memory_space<vmem>>, %arg10: memref<1024xf32, #tpu.memory_space<vmem>>, %arg11: memref<1024xf32, #tpu.memory_space<vmem>>, %arg12: memref<2x128xf32, #tpu.memory_space<vmem>>, %arg13: memref<!tpu.dma_semaphore, #tpu.memory_space<semaphore_mem>>, %arg14: memref<!tpu.dma_semaphore, #tpu.memory_space<semaphore_mem>>, %arg15: memref<!tpu.dma_semaphore, #tpu.memory_space<semaphore_mem>>, %arg16: memref<!tpu.dma_semaphore, #tpu.memory_space<semaphore_mem>>) attributes {dimension_semantics = [#tpu.dimension_semantics<core_parallel>, #tpu.dimension_semantics<subcore_parallel>], iteration_bounds = array<i64: 2, 16>, scalar_prefetch = 0 : i64, scratch_operands = 11 : i64, tpu.core_type = #tpu.core_type<sc_vector_subcore>, window_params = [{transform_indices = #map}, {transform_indices = #map}, {transform_indices = #map1}, {transform_indices = #map1}]} {
    %mul3A = arith.constant 16 : i32
    %mul3A_0 = arith.muli %arg0, %mul3A : i32
    %add3A = arith.addi %mul3A_0, %arg1 : i32
    %scan3A = arith.constant 0 : i32
    %scan3A_1 = arith.constant 64 : i32
    %scan3A_2 = arith.addi %scan3A, %scan3A_1 : i32
    %scan3A_3 = arith.constant 1 : i32
    scf.for %scan3A_36 = %scan3A to %scan3A_2 step %scan3A_3  : i32 {
      %mul3A_37 = arith.constant 16 : i32
      %mul3A_38 = arith.muli %scan3A_36, %mul3A_37 : i32
      %add3A_39 = arith.constant 0 : i32
      %add3A_40 = arith.addi %add3A_39, %mul3A_38 : i32
      %broadcast_in_dim3A_41 = arith.constant 0.000000e+00 : f32
      %broadcast_in_dim3A_42 = vector.broadcast %broadcast_in_dim3A_41 : f32 to vector<16xf32>
      %swap3A = arith.index_cast %add3A_40 : i32 to index
      %swap3A_43 = tpu.vector_load %arg10[%swap3A] {strides = array<i32>} : memref<1024xf32, #tpu.memory_space<vmem>>, vector<16xf32>,
      tpu.vector_store %arg10[%swap3A], %broadcast_in_dim3A_42 {strides = array<i32>} : memref<1024xf32, #tpu.memory_space<vmem>>, vector<16xf32>,
    }
    %scan3A_4 = arith.constant 64 : i32
    "tpu.region"() ({
      %run_scoped3A = tpu.sem_alloc : memref<!tpu.dma_semaphore, #tpu.memory_space<semaphore_mem>>
      tpu.enqueue_dma source(%arg4 : memref<2x128xf32, #tpu.memory_space<hbm>>) target(%arg12 : memref<2x128xf32, #tpu.memory_space<vmem>>) target_semaphore(%run_scoped3A : memref<!tpu.dma_semaphore, #tpu.memory_space<semaphore_mem>>)
      tpu.wait_dma2 semaphore(%run_scoped3A : memref<!tpu.dma_semaphore, #tpu.memory_space<semaphore_mem>>) src(%arg4 : memref<2x128xf32, #tpu.memory_space<hbm>>) dst(%arg12 : memref<2x128xf32, #tpu.memory_space<vmem>>)
      tpu.yield
    }) : () -> ()
    %get3A = arith.constant 0 : i32
    %get3A_5 = arith.index_cast %get3A : i32 to index
    %get3A_6 = arith.constant 0 : index
    %get3A_7 = tpu.vector_load %arg12[%get3A_5, %get3A_6] {strides = array<i32>} : memref<2x128xf32, #tpu.memory_space<vmem>>, vector<16xf32>,
    %slice3A = vector.extract_strided_slice %get3A_7 {offsets = [0], sizes = [1], strides = [1]} : vector<16xf32> to vector<1xf32>
    %squeeze3A = vector.extract %slice3A[0] : f32 from vector<1xf32>
    %get3A_8 = arith.constant 1 : i32
    %get3A_9 = arith.index_cast %get3A_8 : i32 to index
    %get3A_10 = arith.constant 0 : index
    %get3A_11 = tpu.vector_load %arg12[%get3A_9, %get3A_10] {strides = array<i32>} : memref<2x128xf32, #tpu.memory_space<vmem>>, vector<16xf32>,
    %slice3A_12 = vector.extract_strided_slice %get3A_11 {offsets = [0], sizes = [1], strides = [1]} : vector<16xf32> to vector<1xf32>
    %squeeze3A_13 = vector.extract %slice3A_12[0] : f32 from vector<1xf32>
    %mul3A_14 = arith.constant 262144 : i32
    %mul3A_15 = arith.muli %add3A, %mul3A_14 : i32
    %broadcast_in_dim3A = arith.constant 1.000000e+00 : f32
    %broadcast_in_dim3A_16 = vector.broadcast %broadcast_in_dim3A : f32 to vector<16xf32>
    %broadcast_in_dim3A_17 = arith.constant -1.000000e+00 : f32
    %broadcast_in_dim3A_18 = vector.broadcast %broadcast_in_dim3A_17 : f32 to vector<16xf32>
    %add3A_19 = arith.constant 0 : i32
    %add3A_20 = arith.addi %mul3A_15, %add3A_19 : i32
    %dma_start3A = tpu.memref_slice %arg2[%add3A_20] : memref<8388608xf32, #tpu.memory_space<hbm>> -> memref<8192xf32, #tpu.memory_space<hbm>>
    %dma_start3A_21 = tpu.memref_slice %arg2[%add3A_20] : memref<8388608xf32, #tpu.memory_space<hbm>> -> memref<8192xf32, #tpu.memory_space<hbm>>
    tpu.enqueue_dma source(%dma_start3A_21 : memref<8192xf32, #tpu.memory_space<hbm>>) target(%arg6 : memref<8192xf32, #tpu.memory_space<vmem>>) target_semaphore(%arg13 : memref<!tpu.dma_semaphore, #tpu.memory_space<semaphore_mem>>)
    %dma_start3A_22 = tpu.memref_slice %arg3[%add3A_20] : memref<8388608xf32, #tpu.memory_space<hbm>> -> memref<8192xf32, #tpu.memory_space<hbm>>
    %dma_start3A_23 = tpu.memref_slice %arg3[%add3A_20] : memref<8388608xf32, #tpu.memory_space<hbm>> -> memref<8192xf32, #tpu.memory_space<hbm>>
    tpu.enqueue_dma source(%dma_start3A_23 : memref<8192xf32, #tpu.memory_space<hbm>>) target(%arg8 : memref<8192xf32, #tpu.memory_space<vmem>>) target_semaphore(%arg15 : memref<!tpu.dma_semaphore, #tpu.memory_space<semaphore_mem>>)
    %scan3A_24 = arith.constant 0 : i32
    %scan3A_25 = arith.constant 16 : i32
    %scan3A_26 = arith.addi %scan3A_24, %scan3A_25 : i32
    %scan3A_27 = arith.constant 1 : i32
    scf.for %scan3A_36 = %scan3A_24 to %scan3A_26 step %scan3A_27  : i32 {
      %mul3A_37 = arith.constant 2 : i32
      %mul3A_38 = arith.muli %scan3A_36, %mul3A_37 : i32
      %add3A_39 = arith.constant 0 : i32
      %add3A_40 = arith.addi %add3A_39, %mul3A_38 : i32
      %dma_wait3A = arith.constant 0 : i32
      %dma_wait3A_41 = tpu.memref_slice %arg2[%dma_wait3A] : memref<8388608xf32, #tpu.memory_space<hbm>> -> memref<8192xf32, #tpu.memory_space<hbm>>
      %dma_wait3A_42 = arith.constant 0 : i32
      %dma_wait3A_43 = tpu.memref_slice %arg2[%dma_wait3A_42] : memref<8388608xf32, #tpu.memory_space<hbm>> -> memref<8192xf32, #tpu.memory_space<hbm>>
      tpu.wait_dma2 semaphore(%arg13 : memref<!tpu.dma_semaphore, #tpu.memory_space<semaphore_mem>>) src(%dma_wait3A_43 : memref<8192xf32, #tpu.memory_space<hbm>>) dst(%arg6 : memref<8192xf32, #tpu.memory_space<vmem>>)
      %dma_wait3A_44 = arith.constant 0 : i32
      %dma_wait3A_45 = tpu.memref_slice %arg3[%dma_wait3A_44] : memref<8388608xf32, #tpu.memory_space<hbm>> -> memref<8192xf32, #tpu.memory_space<hbm>>
      %dma_wait3A_46 = arith.constant 0 : i32
      %dma_wait3A_47 = tpu.memref_slice %arg3[%dma_wait3A_46] : memref<8388608xf32, #tpu.memory_space<hbm>> -> memref<8192xf32, #tpu.memory_space<hbm>>
      tpu.wait_dma2 semaphore(%arg15 : memref<!tpu.dma_semaphore, #tpu.memory_space<semaphore_mem>>) src(%dma_wait3A_47 : memref<8192xf32, #tpu.memory_space<hbm>>) dst(%arg8 : memref<8192xf32, #tpu.memory_space<vmem>>)
      %add3A_48 = arith.constant 1 : i32
      %add3A_49 = arith.addi %add3A_40, %add3A_48 : i32
      %mul3A_50 = arith.constant 8192 : i32
      %mul3A_51 = arith.muli %add3A_49, %mul3A_50 : i32
      %add3A_52 = arith.addi %mul3A_15, %mul3A_51 : i32
      %dma_start3A_53 = tpu.memref_slice %arg2[%add3A_52] : memref<8388608xf32, #tpu.memory_space<hbm>> -> memref<8192xf32, #tpu.memory_space<hbm>>
      %dma_start3A_54 = tpu.memref_slice %arg2[%add3A_52] : memref<8388608xf32, #tpu.memory_space<hbm>> -> memref<8192xf32, #tpu.memory_space<hbm>>
      tpu.enqueue_dma source(%dma_start3A_54 : memref<8192xf32, #tpu.memory_space<hbm>>) target(%arg7 : memref<8192xf32, #tpu.memory_space<vmem>>) target_semaphore(%arg14 : memref<!tpu.dma_semaphore, #tpu.memory_space<semaphore_mem>>)
      %dma_start3A_55 = tpu.memref_slice %arg3[%add3A_52] : memref<8388608xf32, #tpu.memory_space<hbm>> -> memref<8192xf32, #tpu.memory_space<hbm>>
      %dma_start3A_56 = tpu.memref_slice %arg3[%add3A_52] : memref<8388608xf32, #tpu.memory_space<hbm>> -> memref<8192xf32, #tpu.memory_space<hbm>>
      tpu.enqueue_dma source(%dma_start3A_56 : memref<8192xf32, #tpu.memory_space<hbm>>) target(%arg9 : memref<8192xf32, #tpu.memory_space<vmem>>) target_semaphore(%arg16 : memref<!tpu.dma_semaphore, #tpu.memory_space<semaphore_mem>>)
      %parallel_loop3A = arith.constant 0 : i32
      %parallel_loop3A_57 = arith.constant 8192 : i32
      %parallel_loop3A_58 = arith.constant 16 : i32
      scf.for %parallel_loop3A_80 = %parallel_loop3A to %parallel_loop3A_57 step %parallel_loop3A_58  : i32 {
        %parallel_loop3A_81 = arith.index_cast %parallel_loop3A_80 : i32 to index
        %parallel_loop3A_82 = tpu.vector_load %arg6[%parallel_loop3A_81] {strides = array<i32>} : memref<8192xf32, #tpu.memory_space<vmem>>, vector<16xf32>,
        %parallel_loop3A_83 = vector.broadcast %squeeze3A : f32 to vector<16xf32>
        %parallel_loop3A_84 = arith.subf %parallel_loop3A_82, %parallel_loop3A_83 : vector<16xf32>
        %parallel_loop3A_85 = vector.broadcast %squeeze3A_13 : f32 to vector<16xf32>
        %parallel_loop3A_86 = arith.mulf %parallel_loop3A_84, %parallel_loop3A_85 : vector<16xf32>
        %parallel_loop3A_87 = arith.fptosi %parallel_loop3A_86 : vector<16xf32> to vector<16xi32>
        %parallel_loop3A_88 = arith.constant 1023 : i32
        %parallel_loop3A_89 = vector.broadcast %parallel_loop3A_88 : i32 to vector<16xi32>
        %parallel_loop3A_90 = arith.minsi %parallel_loop3A_87, %parallel_loop3A_89 : vector<16xi32>
        tpu.vector_store_idx %arg10[%parallel_loop3A_90], %broadcast_in_dim3A_16 {add = true} : memref<1024xf32, #tpu.memory_space<vmem>>[vector<16xi32>], vector<16xf32>,
      } {sc.loop_unroll_factor = 8 : i64, sc.parallel_access}
      %parallel_loop3A_59 = arith.constant 0 : i32
      %parallel_loop3A_60 = arith.constant 8192 : i32
      %parallel_loop3A_61 = arith.constant 16 : i32
      scf.for %parallel_loop3A_80 = %parallel_loop3A_59 to %parallel_loop3A_60 step %parallel_loop3A_61  : i32 {
        %parallel_loop3A_81 = arith.index_cast %parallel_loop3A_80 : i32 to index
        %parallel_loop3A_82 = tpu.vector_load %arg8[%parallel_loop3A_81] {strides = array<i32>} : memref<8192xf32, #tpu.memory_space<vmem>>, vector<16xf32>,
        %parallel_loop3A_83 = vector.broadcast %squeeze3A : f32 to vector<16xf32>
        %parallel_loop3A_84 = arith.subf %parallel_loop3A_82, %parallel_loop3A_83 : vector<16xf32>
        %parallel_loop3A_85 = vector.broadcast %squeeze3A_13 : f32 to vector<16xf32>
        %parallel_loop3A_86 = arith.mulf %parallel_loop3A_84, %parallel_loop3A_85 : vector<16xf32>
        %parallel_loop3A_87 = arith.fptosi %parallel_loop3A_86 : vector<16xf32> to vector<16xi32>
        %parallel_loop3A_88 = arith.constant 1023 : i32
        %parallel_loop3A_89 = vector.broadcast %parallel_loop3A_88 : i32 to vector<16xi32>
        %parallel_loop3A_90 = arith.minsi %parallel_loop3A_87, %parallel_loop3A_89 : vector<16xi32>
        tpu.vector_store_idx %arg10[%parallel_loop3A_90], %broadcast_in_dim3A_18 {add = true} : memref<1024xf32, #tpu.memory_space<vmem>>[vector<16xi32>], vector<16xf32>,
      } {sc.loop_unroll_factor = 8 : i64, sc.parallel_access}
      %dma_wait3A_62 = arith.constant 0 : i32
      %dma_wait3A_63 = tpu.memref_slice %arg2[%dma_wait3A_62] : memref<8388608xf32, #tpu.memory_space<hbm>> -> memref<8192xf32, #tpu.memory_space<hbm>>
      %dma_wait3A_64 = arith.constant 0 : i32
      %dma_wait3A_65 = tpu.memref_slice %arg2[%dma_wait3A_64] : memref<8388608xf32, #tpu.memory_space<hbm>> -> memref<8192xf32, #tpu.memory_space<hbm>>
      tpu.wait_dma2 semaphore(%arg14 : memref<!tpu.dma_semaphore, #tpu.memory_space<semaphore_mem>>) src(%dma_wait3A_65 : memref<8192xf32, #tpu.memory_space<hbm>>) dst(%arg7 : memref<8192xf32, #tpu.memory_space<vmem>>)
      %dma_wait3A_66 = arith.constant 0 : i32
      %dma_wait3A_67 = tpu.memref_slice %arg3[%dma_wait3A_66] : memref<8388608xf32, #tpu.memory_space<hbm>> -> memref<8192xf32, #tpu.memory_space<hbm>>
      %dma_wait3A_68 = arith.constant 0 : i32
      %dma_wait3A_69 = tpu.memref_slice %arg3[%dma_wait3A_68] : memref<8388608xf32, #tpu.memory_space<hbm>> -> memref<8192xf32, #tpu.memory_space<hbm>>
      tpu.wait_dma2 semaphore(%arg16 : memref<!tpu.dma_semaphore, #tpu.memory_space<semaphore_mem>>) src(%dma_wait3A_69 : memref<8192xf32, #tpu.memory_space<hbm>>) dst(%arg9 : memref<8192xf32, #tpu.memory_space<vmem>>)
      %add3A_70 = arith.constant 2 : i32
      %add3A_71 = arith.addi %add3A_40, %add3A_70 : i32
      %lt3A = arith.constant 32 : i32
      %lt3A_72 = arith.cmpi slt, %add3A_71, %lt3A : i32
      %convert_element_type3A = arith.extui %lt3A_72 : i1 to i32
      %cond3A = arith.constant 0 : i32
      %cond3A_73 = arith.cmpi ne, %convert_element_type3A, %cond3A : i32
      scf.if %cond3A_73 {
        %add3A_80 = arith.constant 2 : i32
        %add3A_81 = arith.addi %add3A_40, %add3A_80 : i32
        %mul3A_82 = arith.constant 8192 : i32
        %mul3A_83 = arith.muli %add3A_81, %mul3A_82 : i32
        %add3A_84 = arith.addi %mul3A_15, %mul3A_83 : i32
        %dma_start3A_85 = tpu.memref_slice %arg2[%add3A_84] : memref<8388608xf32, #tpu.memory_space<hbm>> -> memref<8192xf32, #tpu.memory_space<hbm>>
        %dma_start3A_86 = tpu.memref_slice %arg2[%add3A_84] : memref<8388608xf32, #tpu.memory_space<hbm>> -> memref<8192xf32, #tpu.memory_space<hbm>>
        tpu.enqueue_dma source(%dma_start3A_86 : memref<8192xf32, #tpu.memory_space<hbm>>) target(%arg6 : memref<8192xf32, #tpu.memory_space<vmem>>) target_semaphore(%arg13 : memref<!tpu.dma_semaphore, #tpu.memory_space<semaphore_mem>>)
        %dma_start3A_87 = tpu.memref_slice %arg3[%add3A_84] : memref<8388608xf32, #tpu.memory_space<hbm>> -> memref<8192xf32, #tpu.memory_space<hbm>>
        %dma_start3A_88 = tpu.memref_slice %arg3[%add3A_84] : memref<8388608xf32, #tpu.memory_space<hbm>> -> memref<8192xf32, #tpu.memory_space<hbm>>
        tpu.enqueue_dma source(%dma_start3A_88 : memref<8192xf32, #tpu.memory_space<hbm>>) target(%arg8 : memref<8192xf32, #tpu.memory_space<vmem>>) target_semaphore(%arg15 : memref<!tpu.dma_semaphore, #tpu.memory_space<semaphore_mem>>)
      } else {
      }
      %parallel_loop3A_74 = arith.constant 0 : i32
      %parallel_loop3A_75 = arith.constant 8192 : i32
      %parallel_loop3A_76 = arith.constant 16 : i32
      scf.for %parallel_loop3A_80 = %parallel_loop3A_74 to %parallel_loop3A_75 step %parallel_loop3A_76  : i32 {
        %parallel_loop3A_81 = arith.index_cast %parallel_loop3A_80 : i32 to index
        %parallel_loop3A_82 = tpu.vector_load %arg7[%parallel_loop3A_81] {strides = array<i32>} : memref<8192xf32, #tpu.memory_space<vmem>>, vector<16xf32>,
        %parallel_loop3A_83 = vector.broadcast %squeeze3A : f32 to vector<16xf32>
        %parallel_loop3A_84 = arith.subf %parallel_loop3A_82, %parallel_loop3A_83 : vector<16xf32>
        %parallel_loop3A_85 = vector.broadcast %squeeze3A_13 : f32 to vector<16xf32>
        %parallel_loop3A_86 = arith.mulf %parallel_loop3A_84, %parallel_loop3A_85 : vector<16xf32>
        %parallel_loop3A_87 = arith.fptosi %parallel_loop3A_86 : vector<16xf32> to vector<16xi32>
        %parallel_loop3A_88 = arith.constant 1023 : i32
        %parallel_loop3A_89 = vector.broadcast %parallel_loop3A_88 : i32 to vector<16xi32>
        %parallel_loop3A_90 = arith.minsi %parallel_loop3A_87, %parallel_loop3A_89 : vector<16xi32>
        tpu.vector_store_idx %arg10[%parallel_loop3A_90], %broadcast_in_dim3A_16 {add = true} : memref<1024xf32, #tpu.memory_space<vmem>>[vector<16xi32>], vector<16xf32>,
      } {sc.loop_unroll_factor = 8 : i64, sc.parallel_access}
      %parallel_loop3A_77 = arith.constant 0 : i32
      %parallel_loop3A_78 = arith.constant 8192 : i32
      %parallel_loop3A_79 = arith.constant 16 : i32
      scf.for %parallel_loop3A_80 = %parallel_loop3A_77 to %parallel_loop3A_78 step %parallel_loop3A_79  : i32 {
        %parallel_loop3A_81 = arith.index_cast %parallel_loop3A_80 : i32 to index
        %parallel_loop3A_82 = tpu.vector_load %arg9[%parallel_loop3A_81] {strides = array<i32>} : memref<8192xf32, #tpu.memory_space<vmem>>, vector<16xf32>,
        %parallel_loop3A_83 = vector.broadcast %squeeze3A : f32 to vector<16xf32>
        %parallel_loop3A_84 = arith.subf %parallel_loop3A_82, %parallel_loop3A_83 : vector<16xf32>
        %parallel_loop3A_85 = vector.broadcast %squeeze3A_13 : f32 to vector<16xf32>
        %parallel_loop3A_86 = arith.mulf %parallel_loop3A_84, %parallel_loop3A_85 : vector<16xf32>
        %parallel_loop3A_87 = arith.fptosi %parallel_loop3A_86 : vector<16xf32> to vector<16xi32>
        %parallel_loop3A_88 = arith.constant 1023 : i32
        %parallel_loop3A_89 = vector.broadcast %parallel_loop3A_88 : i32 to vector<16xi32>
        %parallel_loop3A_90 = arith.minsi %parallel_loop3A_87, %parallel_loop3A_89 : vector<16xi32>
        tpu.vector_store_idx %arg10[%parallel_loop3A_90], %broadcast_in_dim3A_18 {add = true} : memref<1024xf32, #tpu.memory_space<vmem>>[vector<16xi32>], vector<16xf32>,
      } {sc.loop_unroll_factor = 8 : i64, sc.parallel_access}
    }
    %scan3A_28 = arith.constant 16 : i32
    %scan3A_29 = arith.constant 0.000000e+00 : f32
    %scan3A_30 = arith.constant 0 : i32
    %scan3A_31 = arith.constant 64 : i32
    %scan3A_32 = arith.addi %scan3A_30, %scan3A_31 : i32
    %scan3A_33 = arith.constant 1 : i32
    %scan3A_34 = scf.for %scan3A_36 = %scan3A_30 to %scan3A_32 step %scan3A_33 iter_args(%scan3A_37 = %scan3A_29) -> (f32)  : i32 {
      %mul3A_38 = arith.constant 16 : i32
      %mul3A_39 = arith.muli %scan3A_36, %mul3A_38 : i32
      %get3A_40 = arith.index_cast %mul3A_39 : i32 to index
      %get3A_41 = tpu.vector_load %arg10[%get3A_40] {strides = array<i32>} : memref<1024xf32, #tpu.memory_space<vmem>>, vector<16xf32>,
      %broadcast_in_dim3A_42 = arith.constant true
      %broadcast_in_dim3A_43 = vector.broadcast %broadcast_in_dim3A_42 : i1 to vector<16xi1>
      %masked_cumsum3A = tpu.scan <sum>, %get3A_41 masked %broadcast_in_dim3A_43 : vector<16xf32>, vector<16xi1> -> vector<16xf32>
      %add3A_44 = vector.broadcast %scan3A_37 : f32 to vector<16xf32>
      %add3A_45 = arith.addf %masked_cumsum3A, %add3A_44 : vector<16xf32>
      %mul3A_46 = arith.constant 16 : i32
      %mul3A_47 = arith.muli %scan3A_36, %mul3A_46 : i32
      %swap3A = arith.index_cast %mul3A_47 : i32 to index
      %swap3A_48 = tpu.vector_load %arg11[%swap3A] {strides = array<i32>} : memref<1024xf32, #tpu.memory_space<vmem>>, vector<16xf32>,
      tpu.vector_store %arg11[%swap3A], %add3A_45 {strides = array<i32>} : memref<1024xf32, #tpu.memory_space<vmem>>, vector<16xf32>,
      %reduce_sum3A = arith.constant true
      %reduce_sum3A_49 = vector.broadcast %reduce_sum3A : i1 to vector<16xi1>
      %reduce_sum3A_50 = tpu.scan <sum>, %get3A_41 masked %reduce_sum3A_49 : vector<16xf32>, vector<16xi1> -> vector<16xf32>
      %reduce_sum3A_51 = vector.extract %reduce_sum3A_50[15] : f32 from vector<16xf32>
      %add3A_52 = arith.addf %scan3A_37, %reduce_sum3A_51 : f32
      scf.yield %add3A_52 : f32
    }
    %scan3A_35 = arith.constant 64 : i32
    "tpu.region"() ({
      %run_scoped3A = tpu.sem_alloc : memref<!tpu.dma_semaphore, #tpu.memory_space<semaphore_mem>>
      %dma_start3A_36 = arith.constant 0 : i32
      %dma_start3A_37 = tpu.memref_slice %arg5[%add3A, %dma_start3A_36] : memref<32x1024xf32, #tpu.memory_space<hbm>> -> memref<1x1024xf32, #tpu.memory_space<hbm>>
      %dma_start3A_38 = tpu.memref_squeeze %dma_start3A_37 : memref<1x1024xf32, #tpu.memory_space<hbm>> -> memref<1024xf32, #tpu.memory_space<hbm>>
      %dma_start3A_39 = arith.constant 0 : i32
      %dma_start3A_40 = tpu.memref_slice %arg5[%add3A, %dma_start3A_39] : memref<32x1024xf32, #tpu.memory_space<hbm>> -> memref<1x1024xf32, #tpu.memory_space<hbm>>
      %dma_start3A_41 = tpu.memref_squeeze %dma_start3A_40 : memref<1x1024xf32, #tpu.memory_space<hbm>> -> memref<1024xf32, #tpu.memory_space<hbm>>
      tpu.enqueue_dma source(%arg11 : memref<1024xf32, #tpu.memory_space<vmem>>) target(%dma_start3A_41 : memref<1024xf32, #tpu.memory_space<hbm>>) target_semaphore(%run_scoped3A : memref<!tpu.dma_semaphore, #tpu.memory_space<semaphore_mem>>)
      %dma_wait3A = arith.constant 0 : i32
      %dma_wait3A_42 = tpu.memref_slice %arg5[%add3A, %dma_wait3A] : memref<32x1024xf32, #tpu.memory_space<hbm>> -> memref<1x1024xf32, #tpu.memory_space<hbm>>
      %dma_wait3A_43 = tpu.memref_squeeze %dma_wait3A_42 : memref<1x1024xf32, #tpu.memory_space<hbm>> -> memref<1024xf32, #tpu.memory_space<hbm>>
      %dma_wait3A_44 = arith.constant 0 : i32
      %dma_wait3A_45 = tpu.memref_slice %arg5[%add3A, %dma_wait3A_44] : memref<32x1024xf32, #tpu.memory_space<hbm>> -> memref<1x1024xf32, #tpu.memory_space<hbm>>
      %dma_wait3A_46 = tpu.memref_squeeze %dma_wait3A_45 : memref<1x1024xf32, #tpu.memory_space<hbm>> -> memref<1024xf32, #tpu.memory_space<hbm>>
      tpu.wait_dma2 semaphore(%run_scoped3A : memref<!tpu.dma_semaphore, #tpu.memory_space<semaphore_mem>>) src(%arg11 : memref<1024xf32, #tpu.memory_space<vmem>>) dst(%dma_wait3A_46 : memref<1024xf32, #tpu.memory_space<hbm>>)
      tpu.yield
    }) : () -> ()
    return
  }
}

module attributes {stable_mosaic.version = 14 : i64} {
  func.func @_cdf_body(%arg0: memref<32x1024xf32, #tpu.memory_space<vmem>>, %arg1: memref<1xf32, #tpu.memory_space<smem>>) attributes {dimension_semantics = [], scalar_prefetch = 0 : i64, scratch_operands = 0 : i64, tpu.core_type = #tpu.core_type<tc>} {
    %get3A = arith.constant 0 : index
    %get3A_0 = arith.constant 0 : index
    %get3A_1 = vector.load %arg0[%get3A, %get3A_0] : memref<32x1024xf32, #tpu.memory_space<vmem>>, vector<32x1024xf32>
    %reduce_sum3A = arith.constant dense<0.000000e+00> : vector<1024xf32>
    %reduce_sum3A_2 = vector.multi_reduction <add>, %get3A_1, %reduce_sum3A [0] : vector<32x1024xf32> to vector<1024xf32>
    %broadcast_in_dim3A = vector.shape_cast %reduce_sum3A_2 : vector<1024xf32> to vector<1x1024xf32>
    %abs3A = math.absf %broadcast_in_dim3A : vector<1x1024xf32>
    %reduce_sum3A_3 = vector.shape_cast %abs3A : vector<1x1024xf32> to vector<1x1x1024xf32>
    %reduce_sum3A_4 = arith.constant dense<0.000000e+00> : vector<1xf32>
    %reduce_sum3A_5 = vector.multi_reduction <add>, %reduce_sum3A_3, %reduce_sum3A_4 [1, 2] : vector<1x1x1024xf32> to vector<1xf32>
    %reduce_sum3A_6 = vector.shape_cast %reduce_sum3A_5 : vector<1xf32> to vector<1x1x1xf32>
    %reduce_sum3A_7 = vector.extract %reduce_sum3A_6[0, 0, 0] : f32 from vector<1x1x1xf32>
    %mul3A = arith.constant 1.1920929E-7 : f32
    %mul3A_8 = arith.mulf %reduce_sum3A_7, %mul3A : f32
    %swap3A = arith.constant 0 : index
    %swap3A_9 = memref.load %arg1[%swap3A] : memref<1xf32, #tpu.memory_space<smem>>
    memref.store %mul3A_8, %arg1[%swap3A] : memref<1xf32, #tpu.memory_space<smem>>
    return
  }
}

module attributes {stable_mosaic.version = 14 : i64} {
  func.func @_minmax_body(%arg0: i32, %arg1: memref<8192x128xf32, #tpu.memory_space<vmem>>, %arg2: memref<8192x128xf32, #tpu.memory_space<vmem>>, %arg3: memref<2x128xf32, #tpu.memory_space<vmem>>, %arg4: memref<2x128xf32, #tpu.memory_space<vmem>>) attributes {dimension_semantics = [#tpu.dimension_semantics<arbitrary>], iteration_bounds = array<i64: 8>, scalar_prefetch = 0 : i64, scratch_operands = 0 : i64, tpu.core_type = #tpu.core_type<tc>, window_params = [{transform_indices = @transform_0, window_bounds = array<i64: 8192, 128>}, {transform_indices = @transform_1, window_bounds = array<i64: 8192, 128>}, {pipeline_mode = #tpu.pipeline_mode<synchronous>, transform_indices = @transform_2, window_bounds = array<i64: 2, 128>}, {pipeline_mode = #tpu.pipeline_mode<synchronous>, transform_indices = @transform_3, window_bounds = array<i64: 2, 128>}]} {
    %eq3A = arith.constant 0 : i32
    %eq3A_0 = arith.cmpi eq, %arg0, %eq3A : i32
    %convert_element_type3A = arith.extui %eq3A_0 : i1 to i32
    %cond3A = arith.constant 0 : i32
    %cond3A_1 = arith.cmpi ne, %convert_element_type3A, %cond3A : i32
    scf.if %cond3A_1 {
      %broadcast_in_dim3A_34 = arith.constant 0x7F800000 : f32
      %broadcast_in_dim3A_35 = vector.broadcast %broadcast_in_dim3A_34 : f32 to vector<1x128xf32>
      %swap3A_36 = arith.constant 0 : index
      %swap3A_37 = arith.constant 0 : index
      %swap3A_38 = vector.load %arg3[%swap3A_36, %swap3A_37] : memref<2x128xf32, #tpu.memory_space<vmem>>, vector<1x128xf32>
      tpu.vector_store %arg3[%swap3A_36, %swap3A_37], %broadcast_in_dim3A_35 {strides = array<i32>} : memref<2x128xf32, #tpu.memory_space<vmem>>, vector<1x128xf32>,
      %broadcast_in_dim3A_39 = arith.constant 0xFF800000 : f32
      %broadcast_in_dim3A_40 = vector.broadcast %broadcast_in_dim3A_39 : f32 to vector<1x128xf32>
      %swap3A_41 = arith.constant 1 : index
      %swap3A_42 = arith.constant 0 : index
      %swap3A_43 = vector.load %arg3[%swap3A_41, %swap3A_42] : memref<2x128xf32, #tpu.memory_space<vmem>>, vector<1x128xf32>
      tpu.vector_store %arg3[%swap3A_41, %swap3A_42], %broadcast_in_dim3A_40 {strides = array<i32>} : memref<2x128xf32, #tpu.memory_space<vmem>>, vector<1x128xf32>,
    } else {
    }
    %get3A = arith.constant 0 : index
    %get3A_2 = arith.constant 0 : index
    %get3A_3 = vector.load %arg1[%get3A, %get3A_2] : memref<8192x128xf32, #tpu.memory_space<vmem>>, vector<8192x128xf32>
    %get3A_4 = arith.constant 0 : index
    %get3A_5 = arith.constant 0 : index
    %get3A_6 = vector.load %arg2[%get3A_4, %get3A_5] : memref<8192x128xf32, #tpu.memory_space<vmem>>, vector<8192x128xf32>
    %reduce_min3A = arith.constant dense<0x7F800000> : vector<128xf32>
    %reduce_min3A_7 = vector.multi_reduction <minimumf>, %get3A_3, %reduce_min3A [0] : vector<8192x128xf32> to vector<128xf32>
    %broadcast_in_dim3A = vector.shape_cast %reduce_min3A_7 : vector<128xf32> to vector<1x128xf32>
    %reduce_min3A_8 = arith.constant dense<0x7F800000> : vector<128xf32>
    %reduce_min3A_9 = vector.multi_reduction <minimumf>, %get3A_6, %reduce_min3A_8 [0] : vector<8192x128xf32> to vector<128xf32>
    %broadcast_in_dim3A_10 = vector.shape_cast %reduce_min3A_9 : vector<128xf32> to vector<1x128xf32>
    %min3A = arith.minimumf %broadcast_in_dim3A, %broadcast_in_dim3A_10 : vector<1x128xf32>
    %reduce_max3A = arith.constant dense<0xFF800000> : vector<128xf32>
    %reduce_max3A_11 = vector.multi_reduction <maximumf>, %get3A_3, %reduce_max3A [0] : vector<8192x128xf32> to vector<128xf32>
    %broadcast_in_dim3A_12 = vector.shape_cast %reduce_max3A_11 : vector<128xf32> to vector<1x128xf32>
    %reduce_max3A_13 = arith.constant dense<0xFF800000> : vector<128xf32>
    %reduce_max3A_14 = vector.multi_reduction <maximumf>, %get3A_6, %reduce_max3A_13 [0] : vector<8192x128xf32> to vector<128xf32>
    %broadcast_in_dim3A_15 = vector.shape_cast %reduce_max3A_14 : vector<128xf32> to vector<1x128xf32>
    %max3A = arith.maximumf %broadcast_in_dim3A_12, %broadcast_in_dim3A_15 : vector<1x128xf32>
    %get3A_16 = arith.constant 0 : index
    %get3A_17 = arith.constant 0 : index
    %get3A_18 = vector.load %arg3[%get3A_16, %get3A_17] : memref<2x128xf32, #tpu.memory_space<vmem>>, vector<1x128xf32>
    %min3A_19 = arith.minimumf %get3A_18, %min3A : vector<1x128xf32>
    %swap3A = arith.constant 0 : index
    %swap3A_20 = arith.constant 0 : index
    %swap3A_21 = vector.load %arg3[%swap3A, %swap3A_20] : memref<2x128xf32, #tpu.memory_space<vmem>>, vector<1x128xf32>
    tpu.vector_store %arg3[%swap3A, %swap3A_20], %min3A_19 {strides = array<i32>} : memref<2x128xf32, #tpu.memory_space<vmem>>, vector<1x128xf32>,
    %get3A_22 = arith.constant 1 : index
    %get3A_23 = arith.constant 0 : index
    %get3A_24 = vector.load %arg3[%get3A_22, %get3A_23] : memref<2x128xf32, #tpu.memory_space<vmem>>, vector<1x128xf32>
    %max3A_25 = arith.maximumf %get3A_24, %max3A : vector<1x128xf32>
    %swap3A_26 = arith.constant 1 : index
    %swap3A_27 = arith.constant 0 : index
    %swap3A_28 = vector.load %arg3[%swap3A_26, %swap3A_27] : memref<2x128xf32, #tpu.memory_space<vmem>>, vector<1x128xf32>
    tpu.vector_store %arg3[%swap3A_26, %swap3A_27], %max3A_25 {strides = array<i32>} : memref<2x128xf32, #tpu.memory_space<vmem>>, vector<1x128xf32>,
    %eq3A_29 = arith.constant 7 : i32
    %eq3A_30 = arith.cmpi eq, %arg0, %eq3A_29 : i32
    %convert_element_type3A_31 = arith.extui %eq3A_30 : i1 to i32
    %cond3A_32 = arith.constant 0 : i32
    %cond3A_33 = arith.cmpi ne, %convert_element_type3A_31, %cond3A_32 : i32
    scf.if %cond3A_33 {
      %get3A_34 = arith.constant 0 : index
      %get3A_35 = arith.constant 0 : index
      %get3A_36 = vector.load %arg3[%get3A_34, %get3A_35] : memref<2x128xf32, #tpu.memory_space<vmem>>, vector<1x128xf32>
      %reduce_min3A_37 = vector.shape_cast %get3A_36 : vector<1x128xf32> to vector<1x1x128xf32>
      %reduce_min3A_38 = arith.constant dense<0x7F800000> : vector<1xf32>
      %reduce_min3A_39 = vector.multi_reduction <minimumf>, %reduce_min3A_37, %reduce_min3A_38 [1, 2] : vector<1x1x128xf32> to vector<1xf32>
      %reduce_min3A_40 = vector.shape_cast %reduce_min3A_39 : vector<1xf32> to vector<1x1x1xf32>
      %reduce_min3A_41 = vector.extract %reduce_min3A_40[0, 0, 0] : f32 from vector<1x1x1xf32>
      %get3A_42 = arith.constant 1 : index
      %get3A_43 = arith.constant 0 : index
      %get3A_44 = vector.load %arg3[%get3A_42, %get3A_43] : memref<2x128xf32, #tpu.memory_space<vmem>>, vector<1x128xf32>
      %reduce_max3A_45 = vector.shape_cast %get3A_44 : vector<1x128xf32> to vector<1x1x128xf32>
      %reduce_max3A_46 = arith.constant dense<0xFF800000> : vector<1xf32>
      %reduce_max3A_47 = vector.multi_reduction <maximumf>, %reduce_max3A_45, %reduce_max3A_46 [1, 2] : vector<1x1x128xf32> to vector<1xf32>
      %reduce_max3A_48 = vector.shape_cast %reduce_max3A_47 : vector<1xf32> to vector<1x1x1xf32>
      %reduce_max3A_49 = vector.extract %reduce_max3A_48[0, 0, 0] : f32 from vector<1x1x1xf32>
      %sub3A = arith.subf %reduce_max3A_49, %reduce_min3A_41 : f32
      %div3A = arith.constant 1.024000e+03 : f32
      %div3A_50 = arith.divf %div3A, %sub3A : f32
      %broadcast_in_dim3A_51 = vector.broadcast %reduce_min3A_41 : f32 to vector<1x128xf32>
      %swap3A_52 = arith.constant 0 : index
      %swap3A_53 = arith.constant 0 : index
      %swap3A_54 = vector.load %arg4[%swap3A_52, %swap3A_53] : memref<2x128xf32, #tpu.memory_space<vmem>>, vector<1x128xf32>
      tpu.vector_store %arg4[%swap3A_52, %swap3A_53], %broadcast_in_dim3A_51 {strides = array<i32>} : memref<2x128xf32, #tpu.memory_space<vmem>>, vector<1x128xf32>,
      %broadcast_in_dim3A_55 = vector.broadcast %div3A_50 : f32 to vector<1x128xf32>
      %swap3A_56 = arith.constant 1 : index
      %swap3A_57 = arith.constant 0 : index
      %swap3A_58 = vector.load %arg4[%swap3A_56, %swap3A_57] : memref<2x128xf32, #tpu.memory_space<vmem>>, vector<1x128xf32>
      tpu.vector_store %arg4[%swap3A_56, %swap3A_57], %broadcast_in_dim3A_55 {strides = array<i32>} : memref<2x128xf32, #tpu.memory_space<vmem>>, vector<1x128xf32>,
    } else {
    }
    return
  }
  func.func @transform_0(%arg0: i32) -> (i32, i32) {
    %c0_i32 = arith.constant 0 : i32
    %c0_i32_0 = arith.constant 0 : i32
    return %arg0, %c0_i32 : i32, i32
  }
  func.func @transform_1(%arg0: i32) -> (i32, i32) {
    %c0_i32 = arith.constant 0 : i32
    %c0_i32_0 = arith.constant 0 : i32
    return %arg0, %c0_i32 : i32, i32
  }
  func.func @transform_2(%arg0: i32) -> (i32, i32) {
    %c0_i32 = arith.constant 0 : i32
    %c0_i32_0 = arith.constant 0 : i32
    %c0_i32_1 = arith.constant 0 : i32
    return %c0_i32, %c0_i32_0 : i32, i32
  }
  func.func @transform_3(%arg0: i32) -> (i32, i32) {
    %c0_i32 = arith.constant 0 : i32
    %c0_i32_0 = arith.constant 0 : i32
    %c0_i32_1 = arith.constant 0 : i32
    return %c0_i32, %c0_i32_0 : i32, i32
  }
}

</mosaic_0001>

<sc_bundles>
// kernel: kernel.5.cloned.1.call-start
scs
__scs_entry_jumppad:
0x0: {  	(pc) =	sbr.rel $0x88, $3  }
0x1: {  	(tag) =	ssettag $0x0;
	lr =	simm.s32 $0x1  }
0x2: {  	[smem:$0x3F9F] =	sst lr;
	_ =	strace $0xD0000000  }
0x3: {  	_ = 	snop  }
0x4: {  	_ = 	snop  }
0x5: {  	_ = 	snop  }
0x6: {  	_ = 	snop  }
0x7: {  	_ = 	snop  }
__scs_overlays_trampoline_lowered:
0x8: {  	[smem:$0x3FAE] =	sst s0  }
0x9: {  	[smem:$0x3FAF] =	sst s1  }
0xa: {  	[smem:$0x3FB0] =	sst s2  }
0xb: {  	[smem:$0x3FB1] =	sst s3  }
0xc: {  	[smem:$0x3FB2] =	sst s4  }
0xd: {  	[smem:$0x3FB3] =	sst s5  }
0xe: {  	[smem:$0x3FB4] =	sst s6  }
0xf: {  	[smem:$0x3FB5] =	sst s7  }
0x10: {  	[smem:$0x3FB6] =	sst s8  }
0x11: {  	[smem:$0x3FB7] =	sst s9;
	s0 =	simm.s32 @!p0 $0x0  }
0x12: {  	s1 =	sld [smem:$0x3F9D];
	s0 =	simm.s32 @p0 $0x1  }
0x13: {  	[smem:$0x3FB8] =	sst s0;
	s0 =	simm.s32 @!p1 $0x0  }
0x14: {  	s2 =	sld [smem:$0x3F9C];
	s0 =	simm.s32 @p1 $0x1  }
0x15: {  	[smem:$0x3FB9] =	sst s0;
	s0 =	simm.s32 @!p2 $0x0  }
0x16: {  	s3 =	sld [smem:$0x3FDB];
	s0 =	simm.s32 @p2 $0x1  }
0x17: {  	s4 =	simm.s32 $0x1BF5;
	[smem:$0x3FBB] =	sst s0  }
0x18: {  	s0 =	sld [smem:$0x3F9E];
	_ =	swait.ge [sflag:s4], $0x0  }
0x19: {  	s7 =	sld [smem:$0x3F9F]  }
0x1a: {  	s8 =	sadd.s32 $0xFFFFE003, lr  }
0x1b: {  	s9 =	sadd.s32 $0xFFFFFEF7, lr;
	s5 =	simm.s32 $0xFFFFFFFF;
	p2 =	slt.u32 s8, $0xFFFFF086  }
0x1c: {  	p1 =	slt.u32 s9, $0xF7A;
	s5 =	simm.s32 @!p2 $0x0  }
0x1d: {  	s5 =	simm.s32 @p1 $0x1;
	p0 =	seq.s32 s7, s2  }
0x1e: {  	s7 =	smul.u32 @!p0 $0xF7A, s2;
	p2 =	seq.s32 @!p0 s5, $0x0  }
0x1f: {  	s9 =	smul.u32 $0xF7A, s1;
	s8 =	simm.s32 @!p0 $0x1BF5;
	p2 =	por !p2, p0  }
0x20: {  	[sflag:s8] =	ssyncset.s32 @!p0 $0xFFFFF086;
	s6 =	sadd.s32 @!p0 s3, s7;
	s7 =	simm.s32 @!p0 $0x108  }
0x21: {  	s3 =	sadd.s32 s3, s9;
	s6 =	sadd.s32 @!p0 $0x88, s6;
	s7 =	simm.s32 @p2 $0x1082  }
0x22: {  	[simem:s7], [sflag:s8] =	dma.local @!p0 [hbm:s6], $0xF7A  }
0x23: {  	s9 =	sor.u32 $0xD0000000, s2;
	s6 =	simm.s32 $0x108;
	_ =	swait.ge @!p0 [sflag:s8], $0x0  }
0x24: {  	s3 =	sadd.s32 $0x88, s3;
	s6 =	simm.s32 @!p1 $0x1082;
	[sflag:s4] =	ssyncset.s32 $0xFFFFF086  }
0x25: {  	[simem:s6], [sflag:s4] =	dma.local [hbm:s3], $0xF7A  }
0x26: {  	[smem:$0x3F9F] =	sst s1;
	(tag) =	ssettag s2;
	_ =	strace s9  }
0x27: {  	s1 =	sld [smem:$0x3FAF]  }
0x28: {  	s2 =	sld [smem:$0x3FB0]  }
0x29: {  	s4 =	sld [smem:$0x3FB2]  }
0x2a: {  	p0 =	seq.s32 s5, $0x0;
	s5 =	sld [smem:$0x3FB3]  }
0x2b: {  	s6 =	sld [smem:$0x3FB4]  }
0x2c: {  	s7 =	sld [smem:$0x3FB5]  }
0x2d: {  	s3 =	simm.s32 $0x108;
	s8 =	sld [smem:$0x3FB6]  }
0x2e: {  	s3 =	simm.s32 @!p0 $0x1082;
	s9 =	sld [smem:$0x3FB7]  }
0x2f: {  	lr =	sadd.s32 s0, s3;
	s0 =	sld [smem:$0x3FAE]  }
0x30: {  	s3 =	sld [smem:$0x3FB1]  }
0x31: {  	[smem:$0x3FBA] =	sst s10  }
0x32: {  	s10 =	sld [smem:$0x3FB8];
	_ =	sdelay $0x3  }
0x33: {  	p0 =	seq.s32 s10, $0x1;
	s10 =	sld [smem:$0x3FBA];
	_ =	sdelay $0x3  }
0x34: {  	[smem:$0x3FBA] =	sst s10  }
0x35: {  	s10 =	sld [smem:$0x3FB9];
	_ =	sdelay $0x3  }
0x36: {  	p1 =	seq.s32 s10, $0x1;
	s10 =	sld [smem:$0x3FBA];
	_ =	sdelay $0x3  }
0x37: {  	[smem:$0x3FBA] =	sst s10  }
0x38: {  	s10 =	sld [smem:$0x3FBB]  }
0x39: {  	_ = 	snop;
	(pc) =	sbr.ind lr, $3  }
0x3a: {  	_ = 	snop  }
0x3b: {  	_ = 	snop  }
0x3c: {  	p2 =	seq.s32 s10, $0x1;
	s10 =	sld [smem:$0x3FBA]  }
0x3d: {  	_ =	shalt  }
0x3e: {  	_ =	shalt  }
0x3f: {  	_ =	shalt  }
0x40: {  	_ =	shalt  }
0x41: {  	_ =	shalt  }
0x42: {  	_ =	shalt  }
0x43: {  	_ =	shalt  }
0x44: {  	_ =	shalt  }
0x45: {  	_ =	shalt  }
0x46: {  	_ =	shalt  }
0x47: {  	_ =	shalt  }
0x48: {  	_ =	shalt  }
0x49: {  	_ =	shalt  }
0x4a: {  	_ =	shalt  }
0x4b: {  	_ =	shalt  }
0x4c: {  	_ =	shalt  }
0x4d: {  	_ =	shalt  }
0x4e: {  	_ =	shalt  }
0x4f: {  	_ =	shalt  }
0x50: {  	_ =	shalt  }
0x51: {  	_ =	shalt  }
0x52: {  	_ =	shalt  }
0x53: {  	_ =	shalt  }
0x54: {  	_ =	shalt  }
0x55: {  	_ =	shalt  }
0x56: {  	_ =	shalt  }
0x57: {  	_ =	shalt  }
0x58: {  	_ =	shalt  }
0x59: {  	_ =	shalt  }
0x5a: {  	_ =	shalt  }
0x5b: {  	_ =	shalt  }
0x5c: {  	_ =	shalt  }
0x5d: {  	_ =	shalt  }
0x5e: {  	_ =	shalt  }
0x5f: {  	_ =	shalt  }
0x60: {  	_ =	shalt  }
0x61: {  	_ =	shalt  }
0x62: {  	_ =	shalt  }
0x63: {  	_ =	shalt  }
0x64: {  	_ =	shalt  }
0x65: {  	_ =	shalt  }
0x66: {  	_ =	shalt  }
0x67: {  	_ =	shalt  }
0x68: {  	_ =	shalt  }
0x69: {  	_ =	shalt  }
0x6a: {  	_ =	shalt  }
0x6b: {  	_ =	shalt  }
0x6c: {  	_ =	shalt  }
0x6d: {  	_ =	shalt  }
0x6e: {  	_ =	shalt  }
0x6f: {  	_ =	shalt  }
0x70: {  	_ =	shalt  }
0x71: {  	_ =	shalt  }
0x72: {  	_ =	shalt  }
0x73: {  	_ =	shalt  }
0x74: {  	_ =	shalt  }
0x75: {  	_ =	shalt  }
0x76: {  	_ =	shalt  }
0x77: {  	_ =	shalt  }
0x78: {  	_ =	shalt  }
0x79: {  	_ =	shalt  }
0x7a: {  	_ =	shalt  }
0x7b: {  	_ =	shalt  }
0x7c: {  	_ =	shalt  }
0x7d: {  	_ =	shalt  }
0x7e: {  	_ =	shalt  }
0x7f: {  	_ =	shalt  }
0x80: {  	_ =	shalt  }
0x81: {  	_ =	shalt  }
0x82: {  	_ =	shalt  }
0x83: {  	_ =	shalt  }
0x84: {  	_ =	shalt  }
0x85: {  	_ =	shalt  }
0x86: {  	_ =	shalt  }
0x87: {  	_ =	shalt  }
.Lfunc_end0:
.L_simem_size_0:
called_computation_lowered:
.L_overlay_start_0:
0x88: {  	s2 =	sld [smem:$0x3FD9]  }
0x89: {  	s3 =	sld [smem:$0x3FFE];
	_ =	sdelay $0x1  }
0x8a: {  	s1 =	srdreg.scid  }
0x8b: {  	s0 =	sand.u32 $0x1, s1  }
0x8c: {  	s17 =	sshll.u32 s0, $0xA;
	s2 =	sadd.s32 s3, s2  }
0x8d: {  	s2 =	sadd.s32 s2, s17  }
0x8e: {  	[smem:$0x3FC6] =	sst s2  }
0x8f: {  	_ = 	snop  }
0x90: {  	s2 =	sld [smem:$0x3FC9]  }
0x91: {  	s18 =	sld [smem:$0x3FC8];
	(tm) =	ssettm $0x1  }
0x92: {  	s4 =	sld [smem:$0x3FFB];
	_ =	sdelay $0x3  }
0x93: {  	_ =	strace s4  }
0x94: {  	s4 =	sld [smem:$0x3FFC];
	_ =	sdelay $0x3  }
0x95: {  	_ =	strace s4  }
0x96: {  	s4 =	sld [smem:$0x3FFD];
	_ =	sdelay $0x3  }
0x97: {  	_ =	strace s4  }
0x98: {  	_ =	strace $0x8FFFFFFF  }
0x99: {  	s19 =	sld [smem:$0x3FDB];
	_ =	sdelay $0x1  }
0x9a: {  	s5 =	simm.s32 $_scs_section_size  }
0x9b: {  	s6 =	simm.s32 $_size__tile_overlayer_lowered;
	s7 =	simm.s32 $_tile_overlayer_lowered  }
0x9c: {  	s22 =	simm.s32 $0x1BFF;
	s21 =	sshll.u32 s7, $0x1;
	s4 =	sadd.s32 s5, s19  }
0x9d: {  	s8 =	simm.s32 $0x0;
	s20 =	sshll.u32 s6, $0x1;
	s6 =	sadd.s32 s21, s4  }
0x9e: {  	[timem:s8], [sflag:s22] =	dma.local [hbm:s6], s20  }
0x9f: {  	_ =	swait.ge [sflag:s22], s20  }
0xa0: {  	s5 =	ssub.s32 $0x0, s20;
	[sflag:s22] =	ssyncset.done $0x0  }
0xa1: {  	[sflag:s22] =	ssyncadd.s32 s5;
	_ =	sdelay $0x1  }
0xa2: {  	s23 =	simm.s32 $0x1B8B  }
0xa3: {  	_ =	swait.ge [sflag:s23], $0x1  }
0xa4: {  	[sflag:s23] =	ssyncset.done $0x0  }
0xa5: {  	s25 =	simm.s32 $0x1B8E;
	s24 =	sld [smem:$0x3FFE];
	[sflag:s23] =	ssyncadd.s32 $0xFFFFFFFF  }
0xa6: {  	s26 =	simm.s32 $execute0_lowered;
	[smem:$0x3FD2] =	sst s25  }
0xa7: {  	s6 =	sshll.u32 s26, $0x1;
	_ =	strace $0x80000046;
	[dreg:$0x1] =	wrdreg $0xFFFFFFFF  }
0xa8: {  	s28 =	simm.s32 $_size_execute0_lowered;
	s4 =	sadd.s32 s4, s6;
	[dreg:$0x0] =	wrdreg $0x0  }
0xa9: {  	s6 =	sshll.u32 s28, $0x1;
	[dreg:$0x2] =	wrdreg s4  }
0xaa: {  	[dreg:$0x3] =	wrdreg s6  }
0xab: {  	[dreg:$0x4] =	wrdreg $0xC0  }
0xac: {  	_ =	task [dreg:s8], $0x5FFFF  }
0xad: {  	[dreg:$0x1] =	wrdreg $0xFFFFFFFF  }
0xae: {  	[dreg:$0x0] =	wrdreg $0x60  }
0xaf: {  	[dreg:$0x2] =	wrdreg s2  }
0xb0: {  	[dreg:$0x3] =	wrdreg s18  }
0xb1: {  	[dreg:$0x4] =	wrdreg s24  }
0xb2: {  	[dreg:$0x5] =	wrdreg $0x9  }
0xb3: {  	_ =	task.clear_ibuf [dreg:s8], $0x6FFFF;
	_ =	strace $0x90000046  }
0xb4: {  	s29 =	simm.s32 $0x9;
	_ =	strace $0x80000048  }
0xb5: {  	_ =	swait.ge [sflag:s29], $0x1  }
0xb6: {  	[sflag:s29] =	ssyncadd.s32 $0xFFFFFFFF  }
0xb7: {  	_ =	strace $0x90000048  }
0xb8: {  	_ =	sfence  }
0xb9: {  	s30 =	sld [smem:$0x0];
	_ =	sdelay $0x2  }
0xba: {  	s31 =	sshll.u32 s1, $0xD;
	s1 =	sshrl.u32 s1, $0x2  }
0xbb: {  	s3 =	sand.u32 $0x4000, s31;
	s1 =	sadd.s32 s1, s30  }
0xbc: {  	s0 =	sor.u32 s3, s0;
	s1 =	sshll.u32 s1, $0x11  }
0xbd: {  	s0 =	sor.u32 s1, s0  }
0xbe: {  	s0 =	sadd.s32 $0x8F2B, s0  }
0xbf: {  	[sflag:s0] =	ssyncadd.remote.s32 $0x1  }
0xc0: {  	_ =	sfence.sel $0xFFFF  }
0xc1: {  	[dreg:$0x0] =	wrdreg $0xFFFFFFFF;
	(pc) =	sbr.abs _section_cstart, $3  }
0xc2: {  	[dreg:$0x1] =	wrdreg $0xFFFFFFFF  }
0xc3: {  	_ =	task.clear_ibuf [dreg:s8], $0x2FFFF;
	_ =	strace $0x9FFFFFFF  }
0xc4: {  	(tm) =	ssettm $0x7FFFFFFF  }
0xc5: {  	_ =	shalt  }
tec
execute0_lowered:
.L_overlay_start_1:
0x0: {  	(tag) =	ssettag $0x1  }
0x1: {  	s1 =	rddreg [dreg:$0x0]  }
0x2: {  	s2 =	rddreg [dreg:$0x1]  }
0x3: {  	s0 =	rddreg [dreg:$0x2];
	s4 =	simm.s32 $0x0  }
0x4: {  	s3 =	srdreg.scid;
	s8 =	stileid.u32;
	s13 =	simm.s32 $0x5  }
0x5: {  	s15 =	simm.s32 $0x1;
	s16 =	simm.s32 $0x3;
	s17 =	simm.s32 $0x2000  }
0x6: {  	s18 =	simm.s32 $0x6000;
	s19 =	simm.s32 $0x8000;
	s20 =	simm.s32 $0x2  }
0x7: {  	s21 =	simm.s32 $0x4;
	s22 =	simm.s32 $0x80;
	s23 =	simm.s32 $0x400  }
0x8: {  	s24 =	simm.s32 $0x8400;
	s25 =	simm.s32 $0x0;
	[smem:$0x7FF] =	sst s4  }
0x9: {  	s3 =	sand.u32 $0x1, s3;
	s5 =	sadd.s32 $0xA00, s0;
	s6 =	sshll.u32 s8, $0x4  }
0xa: {  	_ =	strace $0x80000047;
	s7 =	sshll.u32 s3, $0x4;
	s3 =	ssub.s32 $0x2, s3  }
0xb: {  	s6 =	sand.u32 $0x70, s6;
	s7 =	sor.u32 s8, s7;
	s31 =	sshrl.u32 s3, $0x1  }
0xc: {  	s0 =	sadd.s32 s6, s0;
	s8 =	sshll.u32 s7, $0x7;
	s3 =	ssub.s32 s3, s31  }
0xd: {  	s9 =	sshll.u32 s7, $0xF;
	s6 =	sshll.u32 s7, $0x12;
	s8 =	sand.u32 $0xC00, s8  }
0xe: {  	s7 =	sadd.s32 s1, s9;
	s11 =	smax.u32 s3, $0x1;
	s0 =	sadd.s32 s8, s0  }
0xf: {  	v0 =	vimm.f32 $0.0e+00;
	v1 =	vimm.f32 $1.000000000e+00;
	v2 =	vimm.f32 $-1.000000000e+00;
	s8 =	sadd.s32 s2, s9;
	s9 =	sor.u32 $0x4000, s6;
	s10 =	sadd.s32 $0xC00, s0  }
.LBB2_1:
0x10: {  	s0 =	simm.s32 $0x40;
	s3 =	simm.s32 $0x0  }
.LBB2_2:
0x11: {  	p0 =	sne.s32 s0, $0xFC0;
	[tilespmem:s3+$0x8000] =	vst v0;
	s3 =	smov.u32 s0;
	s0 =	sadd.s32 $0x40, s0  }
.Ltmp0:
0x12: {  	(pc) =	sbr.rel @p0 .LBB2_2-.Ltmp0, $2  }
0x13: {  	_ =	sdelay $0x2  }
0x14: {  	s3 =	sshra.s32 s3, $0x2  }
0x15: {  	[tilespmem:s3+$0x8000] =	vst v0;
	s26 =	simm.s32 $0x0;
	s0 =	simm.s32 $0x8800  }
0x16: {  	[tilespmem:s0], [sflag:$0x5] =	stream.linear.gather [hbm4b:s5+s26], $0x100, $0x38;
	[tilespmem:$0x8900] =	vst v63  }
0x17: {  	_ =	swait.ge [sflag:s13], $0x100  }
0x18: {  	[sflag:s13] =	ssyncset.done $0x0  }
0x19: {  	[sflag:s13] =	ssyncadd.s32 $0xFFFFFF00  }
0x1a: {  	v3 =	vld.msk [tilespmem:$0x8800 ss:$0x0], $0xffff  }
0x1b: {  	v4 =	vld.msk [tilespmem:$0x8880 ss:$0x0], $0xffff;
	[tilespmem:s26], [sflag:$0x1] =	stream.linear.gather [hbm4b:s7+s26], $0x2000, $0x38  }
0x1c: {  	s31 =	simm.s32 $0x4000  }
0x1d: {  	[tilespmem:s31], [sflag:$0x3] =	stream.linear.gather [hbm4b:s8+s26], $0x2000, $0x38;
	[tilespmem:$0x8900] =	vst v63  }
.LBB2_4:
0x1e: {  	_ =	swait.ge [sflag:s15], $0x2000  }
0x1f: {  	s28 =	sshll.u32 s26, $0xE;
	[sflag:s15] =	ssyncset.done $0x0  }
0x20: {  	s0 =	sor.u32 s28, s6;
	[sflag:s15] =	ssyncadd.s32 $0xFFFFE000  }
0x21: {  	s0 =	sshrl.u32 s0, $0x3;
	_ =	swait.ge [sflag:s16], $0x2000  }
0x22: {  	s0 =	sor.u32 $0x400, s0;
	[sflag:s16] =	ssyncset.done $0x0  }
0x23: {  	s3 =	sadd.s32 s1, s0;
	[sflag:s16] =	ssyncadd.s32 $0xFFFFE000  }
0x24: {  	[tilespmem:s17], [sflag:$0x2] =	stream.linear.gather [hbm4b:s3+s4], $0x2000, $0x38;
	[tilespmem:$0x8900] =	vst v63  }
0x25: {  	s14 =	simm.s32 $0x40;
	s0 =	sadd.s32 s2, s0  }
0x26: {  	[tilespmem:s18], [sflag:$0x4] =	stream.linear.gather [hbm4b:s0+s4], $0x2000, $0x38;
	[tilespmem:$0x8900] =	vst v63  }
0x27: {  	v5 =	vld [tilespmem:s14+$0x30]  }
0x28: {  	v6 =	vld [tilespmem:s14+$0xFFFFFFD0]  }
0x29: {  	v7 =	vld [tilespmem:s14+$0xFFFFFFE0]  }
0x2a: {  	v8 =	vld [tilespmem:s14+$0xFFFFFFF0]  }
0x2b: {  	v9 =	vld [tilespmem:s14+$0x0]  }
0x2c: {  	v10 =	vld [tilespmem:s14+$0x10]  }
0x2d: {  	v11 =	vld [tilespmem:s14+$0x20]  }
0x2e: {  	s31 =	simm.s32 $0xC0;
	v12 =	vld [tilespmem:s14+$0xFFFFFFC0]  }
0x2f: {  	v13 =	vld [tilespmem:s31+$0x30];
	v5 =	vsub.f32 v5, v3  }
0x30: {  	v15 =	vld [tilespmem:s31+$0xFFFFFFE0];
	v6 =	vsub.f32 v6, v3;
	v7 =	vsub.f32 v7, v3  }
0x31: {  	v8 =	vsub.f32 v8, v3;
	v9 =	vsub.f32 v9, v3  }
0x32: {  	v10 =	vsub.f32 v10, v3;
	v11 =	vsub.f32 v11, v3  }
0x33: {  	v12 =	vsub.f32 v12, v3;
	v5 =	vmul.f32 v5, v4;
	v6 =	vmul.f32 v6, v4  }
0x34: {  	v13 =	vsub.f32 v13, v3;
	v7 =	vmul.f32 v7, v4;
	v8 =	vmul.f32 v8, v4  }
0x35: {  	v15 =	vsub.f32 v15, v3;
	v9 =	vmul.f32 v9, v4;
	v10 =	vmul.f32 v10, v4  }
0x36: {  	v11 =	vmul.f32 v11, v4;
	v12 =	vmul.f32 v12, v4  }
0x37: {  	v13 =	vmul.f32 v13, v4;
	v22 =	vmul.f32 v15, v4  }
0x38: {  	v5 =	vtrunc.f32 v5;
	v6 =	vtrunc.f32 v6  }
0x39: {  	v7 =	vtrunc.f32 v7;
	v8 =	vtrunc.f32 v8  }
0x3a: {  	v20 =	vld [tilespmem:s31+$0xFFFFFFC0];
	v9 =	vtrunc.f32 v9;
	v10 =	vtrunc.f32 v10  }
0x3b: {  	v14 =	vld [tilespmem:s31+$0xFFFFFFD0];
	v12 =	vtrunc.f32 v12;
	v11 =	vtrunc.f32 v11  }
0x3c: {  	v13 =	vtrunc.f32 v13;
	v5 =	vcvt.f32.s32 v5  }
0x3d: {  	v12 =	vcvt.f32.s32 v12;
	v18 =	vcvt.f32.s32 v6  }
0x3e: {  	v19 =	vcvt.f32.s32 v7;
	v7 =	vcvt.f32.s32 v9;
	v9 =	vld [tilespmem:s31+$0x0]  }
0x3f: {  	v20 =	vsub.f32 v20, v3;
	v8 =	vcvt.f32.s32 v8;
	v6 =	vcvt.f32.s32 v10  }
0x40: {  	v17 =	vld [tilespmem:s31+$0xFFFFFFF0];
	v10 =	vsub.f32 v14, v3;
	v13 =	vcvt.f32.s32 v13;
	vm0 =	vlt.s32 v5, $0x3FF  }
0x41: {  	vm1 =	vlt.s32 v12, $0x3FF;
	v16 =	vnsel vm0, $0x3FF, v5;
	v5 =	vcvt.f32.s32 v11;
	v11 =	vld [tilespmem:s31+$0x10]  }
0x42: {  	v14 =	vld [tilespmem:s31+$0x20];
	vm4 =	vlt.s32 v18, $0x3FF;
	vm5 =	vlt.s32 v19, $0x3FF;
	vm3 =	vlt.s32 v8, $0x3FF  }
0x43: {  	vm2 =	vlt.s32 v7, $0x3FF;
	v10 =	vmul.f32 v10, v4;
	v9 =	vsub.f32 v9, v3  }
0x44: {  	vm0 =	vlt.s32 v6, $0x3FF;
	v21 =	vnsel vm1, $0x3FF, v12;
	vm1 =	vlt.s32 v13, $0x3FF  }
0x45: {  	v12 =	vnsel vm1, $0x3FF, v13;
	v13 =	vsub.f32 v17, v3;
	v15 =	vmul.f32 v9, v4  }
0x46: {  	v9 =	vnsel vm4, $0x3FF, v18;
	v18 =	vmul.f32 v20, v4;
	v17 =	vsub.f32 v11, v3  }
0x47: {  	v14 =	vsub.f32 v14, v3;
	v11 =	vtrunc.f32 v10;
	v10 =	vmul.f32 v13, v4  }
0x48: {  	vm1 =	vlt.s32 v5, $0x3FF;
	[tilespmem:v16+s19+$0x0] =	vst.idx.add.f32.msk $0xffff, v1;
	v13 =	vtrunc.f32 v22;
	v17 =	vmul.f32 v17, v4  }
0x49: {  	s29 =	simm.s32 $0x80;
	s30 =	simm.s32 $0x140;
	v16 =	vmul.f32 v14, v4;
	[tilespmem:v21+s19+$0x0] =	vst.idx.add.f32.msk $0xffff, v1;
	v14 =	vtrunc.f32 v10;
	v10 =	vnsel vm5, $0x3FF, v19  }
.LBB2_5:
0x4a: {  	v19 =	vld [tilespmem:s30+$0x30];
	s29 =	sadd.s32 $0x80, s29;
	v15 =	vtrunc.f32 v15;
	v17 =	vtrunc.f32 v17;
	v20 =	vnsel vm3, $0x3FF, v8  }
0x4b: {  	v16 =	vtrunc.f32 v16;
	v21 =	vld [tilespmem:s30+$0xFFFFFFD0];
	p0 =	slt.u32 s29, $0x1F80;
	v8 =	vtrunc.f32 v18;
	v18 =	vnsel vm2, $0x3FF, v7  }
0x4c: {  	v23 =	vcvt.f32.s32 v11;
	v24 =	vnsel vm0, $0x3FF, v6;
	v22 =	vcvt.f32.s32 v8;
	[tilespmem:v12+s19+$0x0] =	vst.idx.add.f32.msk $0xffff, v1  }
0x4d: {  	v25 =	vcvt.f32.s32 v13;
	v26 =	vnsel vm1, $0x3FF, v5;
	v8 =	vcvt.f32.s32 v14;
	v11 =	vld [tilespmem:s30+$0xFFFFFFE0]  }
0x4e: {  	v7 =	vcvt.f32.s32 v15;
	v6 =	vcvt.f32.s32 v17;
	v12 =	vld [tilespmem:s30+$0xFFFFFFF0];
	vm6 =	vlt.s32 v22, $0x3FF  }
0x4f: {  	v5 =	vcvt.f32.s32 v16;
	vm4 =	vlt.s32 v23, $0x3FF;
	v13 =	vld [tilespmem:s30+$0x0];
	v14 =	vsub.f32 v19, v3  }
0x50: {  	vm5 =	vlt.s32 v25, $0x3FF;
	vm3 =	vlt.s32 v8, $0x3FF;
	v15 =	vsub.f32 v21, v3;
	v16 =	vld [tilespmem:s30+$0x10]  }
0x51: {  	vm2 =	vlt.s32 v7, $0x3FF;
	vm0 =	vlt.s32 v6, $0x3FF;
	v17 =	vld [tilespmem:s30+$0x20];
	v14 =	vmul.f32 v14, v4  }
0x52: {  	vm1 =	vlt.s32 v5, $0x3FF;
	v19 =	vld [tilespmem:s30+$0xFFFFFFC0];
	v15 =	vmul.f32 v15, v4;
	v11 =	vsub.f32 v11, v3  }
0x53: {  	v21 =	vnsel vm6, $0x3FF, v22;
	v12 =	vsub.f32 v12, v3;
	v14 =	vtrunc.f32 v14;
	[tilespmem:v9+s19+$0x0] =	vst.idx.add.f32.msk $0xffff, v1  }
0x54: {  	v9 =	vmul.f32 v11, v4;
	v13 =	vsub.f32 v13, v3;
	v14 =	vcvt.f32.s32 v14;
	[tilespmem:v10+s19+$0x0] =	vst.idx.add.f32.msk $0xffff, v1  }
.Ltmp1:
0x55: {  	v11 =	vtrunc.f32 v15;
	v10 =	vmul.f32 v12, v4;
	v12 =	vsub.f32 v16, v3;
	[tilespmem:v20+s19+$0x0] =	vst.idx.add.f32.msk $0xffff, v1;
	(pc) =	sbr.rel @p0 .LBB2_5-.Ltmp1, $4  }
0x56: {  	v15 =	vmul.f32 v13, v4;
	v16 =	vsub.f32 v17, v3;
	vm6 =	vlt.s32 v14, $0x3FF;
	[tilespmem:v18+s19+$0x0] =	vst.idx.add.f32.msk $0xffff, v1  }
0x57: {  	v18 =	vsub.f32 v19, v3;
	v17 =	vmul.f32 v12, v4;
	v12 =	vnsel vm6, $0x3FF, v14;
	[tilespmem:v24+s19+$0x0] =	vst.idx.add.f32.msk $0xffff, v1  }
0x58: {  	v13 =	vtrunc.f32 v9;
	v9 =	vnsel vm4, $0x3FF, v23;
	v16 =	vmul.f32 v16, v4;
	[tilespmem:v21+s19+$0x0] =	vst.idx.add.f32.msk $0xffff, v1  }
0x59: {  	s30 =	sadd.s32 $0x80, s30;
	v14 =	vtrunc.f32 v10;
	v10 =	vnsel vm5, $0x3FF, v25;
	v18 =	vmul.f32 v18, v4;
	[tilespmem:v26+s19+$0x0] =	vst.idx.add.f32.msk $0xffff, v1  }
0x5a: {  	_ =	sdelay $0x1  }
0x5b: {  	v15 =	vtrunc.f32 v15;
	v7 =	vnsel vm2, $0x3FF, v7;
	v18 =	vtrunc.f32 v18  }
0x5c: {  	v8 =	vnsel vm3, $0x3FF, v8;
	v17 =	vtrunc.f32 v17;
	v18 =	vcvt.f32.s32 v18  }
0x5d: {  	v11 =	vcvt.f32.s32 v11;
	[tilespmem:v12+s19+$0x0] =	vst.idx.add.f32.msk $0xffff, v1;
	v6 =	vnsel vm0, $0x3FF, v6;
	v13 =	vcvt.f32.s32 v13  }
0x5e: {  	v12 =	vtrunc.f32 v16;
	[tilespmem:v9+s19+$0x0] =	vst.idx.add.f32.msk $0xffff, v1;
	v5 =	vnsel vm1, $0x3FF, v5;
	vm0 =	vlt.s32 v18, $0x3FF  }
0x5f: {  	v9 =	vcvt.f32.s32 v14;
	[tilespmem:v10+s19+$0x0] =	vst.idx.add.f32.msk $0xffff, v1;
	vm1 =	vlt.s32 v13, $0x3FF;
	v16 =	vnsel vm0, $0x3FF, v18  }
0x60: {  	v10 =	vcvt.f32.s32 v15;
	vm0 =	vlt.s32 v11, $0x3FF;
	[tilespmem:v7+s19+$0x0] =	vst.idx.add.f32.msk $0xffff, v1;
	v7 =	vnsel vm1, $0x3FF, v13  }
0x61: {  	v12 =	vcvt.f32.s32 v12;
	[tilespmem:v8+s19+$0x0] =	vst.idx.add.f32.msk $0xffff, v1;
	v8 =	vnsel vm0, $0x3FF, v11;
	vm0 =	vlt.s32 v9, $0x3FF  }
0x62: {  	vm1 =	vlt.s32 v10, $0x3FF;
	[tilespmem:v6+s19+$0x0] =	vst.idx.add.f32.msk $0xffff, v1;
	v11 =	vcvt.f32.s32 v17;
	v6 =	vnsel vm0, $0x3FF, v9  }
0x63: {  	[tilespmem:v5+s19+$0x0] =	vst.idx.add.f32.msk $0xffff, v1;
	v9 =	vnsel vm1, $0x3FF, v10;
	vm1 =	vlt.s32 v12, $0x3FF  }
0x64: {  	vm0 =	vlt.s32 v11, $0x3FF;
	v10 =	vnsel vm1, $0x3FF, v12;
	[tilespmem:v16+s19+$0x0] =	vst.idx.add.f32.msk $0xffff, v1  }
0x65: {  	v5 =	vnsel vm0, $0x3FF, v11;
	[tilespmem:v7+s19+$0x0] =	vst.idx.add.f32.msk $0xffff, v1  }
0x66: {  	[tilespmem:v8+s19+$0x0] =	vst.idx.add.f32.msk $0xffff, v1  }
0x67: {  	[tilespmem:v6+s19+$0x0] =	vst.idx.add.f32.msk $0xffff, v1  }
0x68: {  	[tilespmem:v9+s19+$0x0] =	vst.idx.add.f32.msk $0xffff, v1  }
0x69: {  	[tilespmem:v10+s19+$0x0] =	vst.idx.add.f32.msk $0xffff, v1  }
0x6a: {  	s0 =	simm.s32 $0x4040;
	[tilespmem:v5+s19+$0x0] =	vst.idx.add.f32.msk $0xffff, v1  }
0x6b: {  	v5 =	vld [tilespmem:s0+$0x30]  }
0x6c: {  	v6 =	vld [tilespmem:s0+$0xFFFFFFD0]  }
0x6d: {  	v7 =	vld [tilespmem:s0+$0xFFFFFFE0]  }
0x6e: {  	v8 =	vld [tilespmem:s0+$0xFFFFFFF0]  }
0x6f: {  	v9 =	vld [tilespmem:s0+$0x0]  }
0x70: {  	v10 =	vld [tilespmem:s0+$0x10]  }
0x71: {  	v11 =	vld [tilespmem:s0+$0x20]  }
0x72: {  	s31 =	simm.s32 $0x40C0;
	v12 =	vld [tilespmem:s0+$0xFFFFFFC0]  }
0x73: {  	v13 =	vld [tilespmem:s31+$0x30];
	v5 =	vsub.f32 v5, v3  }
0x74: {  	v15 =	vld [tilespmem:s31+$0xFFFFFFE0];
	v6 =	vsub.f32 v6, v3;
	v7 =	vsub.f32 v7, v3  }
0x75: {  	v8 =	vsub.f32 v8, v3;
	v9 =	vsub.f32 v9, v3  }
0x76: {  	v10 =	vsub.f32 v10, v3;
	v11 =	vsub.f32 v11, v3  }
0x77: {  	v12 =	vsub.f32 v12, v3;
	v5 =	vmul.f32 v5, v4;
	v6 =	vmul.f32 v6, v4  }
0x78: {  	v13 =	vsub.f32 v13, v3;
	v7 =	vmul.f32 v7, v4;
	v8 =	vmul.f32 v8, v4  }
0x79: {  	v15 =	vsub.f32 v15, v3;
	v9 =	vmul.f32 v9, v4;
	v10 =	vmul.f32 v10, v4  }
0x7a: {  	v11 =	vmul.f32 v11, v4;
	v12 =	vmul.f32 v12, v4  }
0x7b: {  	v13 =	vmul.f32 v13, v4;
	v22 =	vmul.f32 v15, v4  }
0x7c: {  	v5 =	vtrunc.f32 v5;
	v6 =	vtrunc.f32 v6  }
0x7d: {  	v7 =	vtrunc.f32 v7;
	v8 =	vtrunc.f32 v8  }
0x7e: {  	v20 =	vld [tilespmem:s31+$0xFFFFFFC0];
	v9 =	vtrunc.f32 v9;
	v10 =	vtrunc.f32 v10  }
0x7f: {  	v14 =	vld [tilespmem:s31+$0xFFFFFFD0];
	v12 =	vtrunc.f32 v12;
	v11 =	vtrunc.f32 v11  }
0x80: {  	v13 =	vtrunc.f32 v13;
	v5 =	vcvt.f32.s32 v5  }
0x81: {  	v12 =	vcvt.f32.s32 v12;
	v18 =	vcvt.f32.s32 v6  }
0x82: {  	v19 =	vcvt.f32.s32 v7;
	v7 =	vcvt.f32.s32 v9;
	v9 =	vld [tilespmem:s31+$0x0]  }
0x83: {  	v20 =	vsub.f32 v20, v3;
	v8 =	vcvt.f32.s32 v8;
	v6 =	vcvt.f32.s32 v10  }
0x84: {  	v17 =	vld [tilespmem:s31+$0xFFFFFFF0];
	v10 =	vsub.f32 v14, v3;
	v13 =	vcvt.f32.s32 v13;
	vm0 =	vlt.s32 v5, $0x3FF  }
0x85: {  	vm1 =	vlt.s32 v12, $0x3FF;
	v16 =	vnsel vm0, $0x3FF, v5;
	v5 =	vcvt.f32.s32 v11;
	v11 =	vld [tilespmem:s31+$0x10]  }
0x86: {  	v14 =	vld [tilespmem:s31+$0x20];
	vm4 =	vlt.s32 v18, $0x3FF;
	vm5 =	vlt.s32 v19, $0x3FF;
	vm3 =	vlt.s32 v8, $0x3FF  }
0x87: {  	vm2 =	vlt.s32 v7, $0x3FF;
	v10 =	vmul.f32 v10, v4;
	v9 =	vsub.f32 v9, v3  }
0x88: {  	vm0 =	vlt.s32 v6, $0x3FF;
	v21 =	vnsel vm1, $0x3FF, v12;
	vm1 =	vlt.s32 v13, $0x3FF  }
0x89: {  	v12 =	vnsel vm1, $0x3FF, v13;
	v13 =	vsub.f32 v17, v3;
	v15 =	vmul.f32 v9, v4  }
0x8a: {  	v9 =	vnsel vm4, $0x3FF, v18;
	v18 =	vmul.f32 v20, v4;
	v17 =	vsub.f32 v11, v3  }
0x8b: {  	v14 =	vsub.f32 v14, v3;
	v11 =	vtrunc.f32 v10;
	v10 =	vmul.f32 v13, v4  }
0x8c: {  	vm1 =	vlt.s32 v5, $0x3FF;
	[tilespmem:v16+s19+$0x0] =	vst.idx.add.f32.msk $0xffff, v2;
	v13 =	vtrunc.f32 v22;
	v17 =	vmul.f32 v17, v4  }
0x8d: {  	s29 =	simm.s32 $0x80;
	s30 =	simm.s32 $0x4140;
	v16 =	vmul.f32 v14, v4;
	[tilespmem:v21+s19+$0x0] =	vst.idx.add.f32.msk $0xffff, v2;
	v14 =	vtrunc.f32 v10;
	v10 =	vnsel vm5, $0x3FF, v19  }
.LBB2_7:
0x8e: {  	v19 =	vld [tilespmem:s30+$0x30];
	s29 =	sadd.s32 $0x80, s29;
	v15 =	vtrunc.f32 v15;
	v17 =	vtrunc.f32 v17;
	v20 =	vnsel vm3, $0x3FF, v8  }
0x8f: {  	v16 =	vtrunc.f32 v16;
	v21 =	vld [tilespmem:s30+$0xFFFFFFD0];
	p0 =	slt.u32 s29, $0x1F80;
	v8 =	vtrunc.f32 v18;
	v18 =	vnsel vm2, $0x3FF, v7  }
0x90: {  	v23 =	vcvt.f32.s32 v11;
	v24 =	vnsel vm0, $0x3FF, v6;
	v22 =	vcvt.f32.s32 v8;
	[tilespmem:v12+s19+$0x0] =	vst.idx.add.f32.msk $0xffff, v2  }
0x91: {  	v25 =	vcvt.f32.s32 v13;
	v26 =	vnsel vm1, $0x3FF, v5;
	v8 =	vcvt.f32.s32 v14;
	v11 =	vld [tilespmem:s30+$0xFFFFFFE0]  }
0x92: {  	v7 =	vcvt.f32.s32 v15;
	v6 =	vcvt.f32.s32 v17;
	v12 =	vld [tilespmem:s30+$0xFFFFFFF0];
	vm6 =	vlt.s32 v22, $0x3FF  }
0x93: {  	v5 =	vcvt.f32.s32 v16;
	vm4 =	vlt.s32 v23, $0x3FF;
	v13 =	vld [tilespmem:s30+$0x0];
	v14 =	vsub.f32 v19, v3  }
0x94: {  	vm5 =	vlt.s32 v25, $0x3FF;
	vm3 =	vlt.s32 v8, $0x3FF;
	v15 =	vsub.f32 v21, v3;
	v16 =	vld [tilespmem:s30+$0x10]  }
0x95: {  	vm2 =	vlt.s32 v7, $0x3FF;
	vm0 =	vlt.s32 v6, $0x3FF;
	v17 =	vld [tilespmem:s30+$0x20];
	v14 =	vmul.f32 v14, v4  }
0x96: {  	vm1 =	vlt.s32 v5, $0x3FF;
	v19 =	vld [tilespmem:s30+$0xFFFFFFC0];
	v15 =	vmul.f32 v15, v4;
	v11 =	vsub.f32 v11, v3  }
0x97: {  	v21 =	vnsel vm6, $0x3FF, v22;
	v12 =	vsub.f32 v12, v3;
	v14 =	vtrunc.f32 v14;
	[tilespmem:v9+s19+$0x0] =	vst.idx.add.f32.msk $0xffff, v2  }
0x98: {  	v9 =	vmul.f32 v11, v4;
	v13 =	vsub.f32 v13, v3;
	v14 =	vcvt.f32.s32 v14;
	[tilespmem:v10+s19+$0x0] =	vst.idx.add.f32.msk $0xffff, v2  }
.Ltmp2:
0x99: {  	v11 =	vtrunc.f32 v15;
	v10 =	vmul.f32 v12, v4;
	v12 =	vsub.f32 v16, v3;
	[tilespmem:v20+s19+$0x0] =	vst.idx.add.f32.msk $0xffff, v2;
	(pc) =	sbr.rel @p0 .LBB2_7-.Ltmp2, $4  }
0x9a: {  	v15 =	vmul.f32 v13, v4;
	v16 =	vsub.f32 v17, v3;
	vm6 =	vlt.s32 v14, $0x3FF;
	[tilespmem:v18+s19+$0x0] =	vst.idx.add.f32.msk $0xffff, v2  }
0x9b: {  	v18 =	vsub.f32 v19, v3;
	v17 =	vmul.f32 v12, v4;
	v12 =	vnsel vm6, $0x3FF, v14;
	[tilespmem:v24+s19+$0x0] =	vst.idx.add.f32.msk $0xffff, v2  }
0x9c: {  	v13 =	vtrunc.f32 v9;
	v9 =	vnsel vm4, $0x3FF, v23;
	v16 =	vmul.f32 v16, v4;
	[tilespmem:v21+s19+$0x0] =	vst.idx.add.f32.msk $0xffff, v2  }
0x9d: {  	s30 =	sadd.s32 $0x80, s30;
	v14 =	vtrunc.f32 v10;
	v10 =	vnsel vm5, $0x3FF, v25;
	v18 =	vmul.f32 v18, v4;
	[tilespmem:v26+s19+$0x0] =	vst.idx.add.f32.msk $0xffff, v2  }
0x9e: {  	_ =	sdelay $0x1  }
0x9f: {  	v15 =	vtrunc.f32 v15;
	v7 =	vnsel vm2, $0x3FF, v7;
	v18 =	vtrunc.f32 v18  }
0xa0: {  	v8 =	vnsel vm3, $0x3FF, v8;
	v17 =	vtrunc.f32 v17;
	v18 =	vcvt.f32.s32 v18  }
0xa1: {  	v11 =	vcvt.f32.s32 v11;
	[tilespmem:v12+s19+$0x0] =	vst.idx.add.f32.msk $0xffff, v2;
	v6 =	vnsel vm0, $0x3FF, v6;
	v13 =	vcvt.f32.s32 v13  }
0xa2: {  	v12 =	vtrunc.f32 v16;
	[tilespmem:v9+s19+$0x0] =	vst.idx.add.f32.msk $0xffff, v2;
	v5 =	vnsel vm1, $0x3FF, v5;
	vm0 =	vlt.s32 v18, $0x3FF  }
0xa3: {  	v9 =	vcvt.f32.s32 v14;
	[tilespmem:v10+s19+$0x0] =	vst.idx.add.f32.msk $0xffff, v2;
	vm1 =	vlt.s32 v13, $0x3FF;
	v16 =	vnsel vm0, $0x3FF, v18  }
0xa4: {  	v10 =	vcvt.f32.s32 v15;
	vm0 =	vlt.s32 v11, $0x3FF;
	[tilespmem:v7+s19+$0x0] =	vst.idx.add.f32.msk $0xffff, v2;
	v7 =	vnsel vm1, $0x3FF, v13  }
0xa5: {  	v12 =	vcvt.f32.s32 v12;
	[tilespmem:v8+s19+$0x0] =	vst.idx.add.f32.msk $0xffff, v2;
	v8 =	vnsel vm0, $0x3FF, v11;
	vm0 =	vlt.s32 v9, $0x3FF  }
0xa6: {  	vm1 =	vlt.s32 v10, $0x3FF;
	[tilespmem:v6+s19+$0x0] =	vst.idx.add.f32.msk $0xffff, v2;
	v11 =	vcvt.f32.s32 v17;
	v6 =	vnsel vm0, $0x3FF, v9  }
0xa7: {  	[tilespmem:v5+s19+$0x0] =	vst.idx.add.f32.msk $0xffff, v2;
	v9 =	vnsel vm1, $0x3FF, v10;
	vm1 =	vlt.s32 v12, $0x3FF  }
0xa8: {  	vm0 =	vlt.s32 v11, $0x3FF;
	v10 =	vnsel vm1, $0x3FF, v12;
	[tilespmem:v16+s19+$0x0] =	vst.idx.add.f32.msk $0xffff, v2  }
0xa9: {  	v5 =	vnsel vm0, $0x3FF, v11;
	[tilespmem:v7+s19+$0x0] =	vst.idx.add.f32.msk $0xffff, v2  }
0xaa: {  	[tilespmem:v8+s19+$0x0] =	vst.idx.add.f32.msk $0xffff, v2  }
0xab: {  	[tilespmem:v6+s19+$0x0] =	vst.idx.add.f32.msk $0xffff, v2  }
0xac: {  	[tilespmem:v9+s19+$0x0] =	vst.idx.add.f32.msk $0xffff, v2  }
0xad: {  	[tilespmem:v10+s19+$0x0] =	vst.idx.add.f32.msk $0xffff, v2  }
0xae: {  	[tilespmem:v5+s19+$0x0] =	vst.idx.add.f32.msk $0xffff, v2  }
0xaf: {  	_ =	swait.ge [sflag:s20], $0x2000  }
0xb0: {  	[sflag:s20] =	ssyncset.done $0x0  }
0xb1: {  	p0 =	seq.s32 s26, $0xF;
	[sflag:s20] =	ssyncadd.s32 $0xFFFFE000  }
0xb2: {  	s0 =	sadd.s32 @!p0 s28, s9;
	_ =	swait.ge [sflag:s21], $0x2000  }
0xb3: {  	s0 =	sshrl.u32 @!p0 s0, $0x3;
	[sflag:s21] =	ssyncset.done $0x0  }
0xb4: {  	s28 =	simm.s32 @!p0 $0x0;
	s3 =	sadd.s32 @!p0 s1, s0;
	[sflag:s21] =	ssyncadd.s32 $0xFFFFE000  }
0xb5: {  	[tilespmem:s28], [sflag:$0x1] =	stream.linear.gather @!p0 [hbm4b:s3+s28], $0x2000, $0x38;
	[tilespmem:$0x8900] =	vst v63  }
0xb6: {  	s30 =	simm.s32 $0x2040;
	s0 =	sadd.s32 @!p0 s2, s0;
	s3 =	simm.s32 @!p0 $0x4000  }
0xb7: {  	[tilespmem:s3], [sflag:$0x3] =	stream.linear.gather @!p0 [hbm4b:s0+s28], $0x2000, $0x38;
	[tilespmem:$0x8900] =	vst v63  }
0xb8: {  	v5 =	vld [tilespmem:s30+$0x30]  }
0xb9: {  	v6 =	vld [tilespmem:s30+$0xFFFFFFD0]  }
0xba: {  	v7 =	vld [tilespmem:s30+$0xFFFFFFE0]  }
0xbb: {  	v8 =	vld [tilespmem:s30+$0xFFFFFFF0]  }
0xbc: {  	v9 =	vld [tilespmem:s30+$0x0]  }
0xbd: {  	v10 =	vld [tilespmem:s30+$0x10]  }
0xbe: {  	v11 =	vld [tilespmem:s30+$0x20]  }
0xbf: {  	s31 =	simm.s32 $0x20C0;
	v12 =	vld [tilespmem:s30+$0xFFFFFFC0]  }
0xc0: {  	v13 =	vld [tilespmem:s31+$0x30];
	v5 =	vsub.f32 v5, v3  }
0xc1: {  	v15 =	vld [tilespmem:s31+$0xFFFFFFE0];
	v6 =	vsub.f32 v6, v3;
	v7 =	vsub.f32 v7, v3  }
0xc2: {  	v8 =	vsub.f32 v8, v3;
	v9 =	vsub.f32 v9, v3  }
0xc3: {  	v10 =	vsub.f32 v10, v3;
	v11 =	vsub.f32 v11, v3  }
0xc4: {  	v12 =	vsub.f32 v12, v3;
	v5 =	vmul.f32 v5, v4;
	v6 =	vmul.f32 v6, v4  }
0xc5: {  	v13 =	vsub.f32 v13, v3;
	v7 =	vmul.f32 v7, v4;
	v8 =	vmul.f32 v8, v4  }
0xc6: {  	v15 =	vsub.f32 v15, v3;
	v9 =	vmul.f32 v9, v4;
	v10 =	vmul.f32 v10, v4  }
0xc7: {  	v11 =	vmul.f32 v11, v4;
	v12 =	vmul.f32 v12, v4  }
0xc8: {  	v13 =	vmul.f32 v13, v4;
	v22 =	vmul.f32 v15, v4  }
0xc9: {  	v5 =	vtrunc.f32 v5;
	v6 =	vtrunc.f32 v6  }
0xca: {  	v7 =	vtrunc.f32 v7;
	v8 =	vtrunc.f32 v8  }
0xcb: {  	v20 =	vld [tilespmem:s31+$0xFFFFFFC0];
	v9 =	vtrunc.f32 v9;
	v10 =	vtrunc.f32 v10  }
0xcc: {  	v14 =	vld [tilespmem:s31+$0xFFFFFFD0];
	v12 =	vtrunc.f32 v12;
	v11 =	vtrunc.f32 v11  }
0xcd: {  	v13 =	vtrunc.f32 v13;
	v5 =	vcvt.f32.s32 v5  }
0xce: {  	v12 =	vcvt.f32.s32 v12;
	v18 =	vcvt.f32.s32 v6  }
0xcf: {  	v19 =	vcvt.f32.s32 v7;
	v7 =	vcvt.f32.s32 v9;
	v9 =	vld [tilespmem:s31+$0x0]  }
0xd0: {  	v20 =	vsub.f32 v20, v3;
	v8 =	vcvt.f32.s32 v8;
	v6 =	vcvt.f32.s32 v10  }
0xd1: {  	v17 =	vld [tilespmem:s31+$0xFFFFFFF0];
	v10 =	vsub.f32 v14, v3;
	v13 =	vcvt.f32.s32 v13;
	vm0 =	vlt.s32 v5, $0x3FF  }
0xd2: {  	vm1 =	vlt.s32 v12, $0x3FF;
	v16 =	vnsel vm0, $0x3FF, v5;
	v5 =	vcvt.f32.s32 v11;
	v11 =	vld [tilespmem:s31+$0x10]  }
0xd3: {  	v14 =	vld [tilespmem:s31+$0x20];
	vm4 =	vlt.s32 v18, $0x3FF;
	vm5 =	vlt.s32 v19, $0x3FF;
	vm3 =	vlt.s32 v8, $0x3FF  }
0xd4: {  	vm2 =	vlt.s32 v7, $0x3FF;
	v10 =	vmul.f32 v10, v4;
	v9 =	vsub.f32 v9, v3  }
0xd5: {  	vm0 =	vlt.s32 v6, $0x3FF;
	v21 =	vnsel vm1, $0x3FF, v12;
	vm1 =	vlt.s32 v13, $0x3FF  }
0xd6: {  	v12 =	vnsel vm1, $0x3FF, v13;
	v13 =	vsub.f32 v17, v3;
	v15 =	vmul.f32 v9, v4  }
0xd7: {  	v9 =	vnsel vm4, $0x3FF, v18;
	v18 =	vmul.f32 v20, v4;
	v17 =	vsub.f32 v11, v3  }
0xd8: {  	v14 =	vsub.f32 v14, v3;
	v11 =	vtrunc.f32 v10;
	v10 =	vmul.f32 v13, v4  }
0xd9: {  	vm1 =	vlt.s32 v5, $0x3FF;
	[tilespmem:v16+s19+$0x0] =	vst.idx.add.f32.msk $0xffff, v1;
	v13 =	vtrunc.f32 v22;
	v17 =	vmul.f32 v17, v4  }
0xda: {  	s29 =	simm.s32 $0x2140;
	s28 =	simm.s32 $0x80;
	v16 =	vmul.f32 v14, v4;
	[tilespmem:v21+s19+$0x0] =	vst.idx.add.f32.msk $0xffff, v1;
	v14 =	vtrunc.f32 v10;
	v10 =	vnsel vm5, $0x3FF, v19  }
.LBB2_9:
0xdb: {  	v19 =	vld [tilespmem:s29+$0x30];
	s28 =	sadd.s32 $0x80, s28;
	v15 =	vtrunc.f32 v15;
	v17 =	vtrunc.f32 v17;
	v20 =	vnsel vm3, $0x3FF, v8  }
0xdc: {  	v16 =	vtrunc.f32 v16;
	v21 =	vld [tilespmem:s29+$0xFFFFFFD0];
	p0 =	slt.u32 s28, $0x1F80;
	v8 =	vtrunc.f32 v18;
	v18 =	vnsel vm2, $0x3FF, v7  }
0xdd: {  	v23 =	vcvt.f32.s32 v11;
	v24 =	vnsel vm0, $0x3FF, v6;
	v22 =	vcvt.f32.s32 v8;
	[tilespmem:v12+s19+$0x0] =	vst.idx.add.f32.msk $0xffff, v1  }
0xde: {  	v25 =	vcvt.f32.s32 v13;
	v26 =	vnsel vm1, $0x3FF, v5;
	v8 =	vcvt.f32.s32 v14;
	v11 =	vld [tilespmem:s29+$0xFFFFFFE0]  }
0xdf: {  	v7 =	vcvt.f32.s32 v15;
	v6 =	vcvt.f32.s32 v17;
	v12 =	vld [tilespmem:s29+$0xFFFFFFF0];
	vm6 =	vlt.s32 v22, $0x3FF  }
0xe0: {  	v5 =	vcvt.f32.s32 v16;
	vm4 =	vlt.s32 v23, $0x3FF;
	v13 =	vld [tilespmem:s29+$0x0];
	v14 =	vsub.f32 v19, v3  }
0xe1: {  	vm5 =	vlt.s32 v25, $0x3FF;
	vm3 =	vlt.s32 v8, $0x3FF;
	v15 =	vsub.f32 v21, v3;
	v16 =	vld [tilespmem:s29+$0x10]  }
0xe2: {  	vm2 =	vlt.s32 v7, $0x3FF;
	vm0 =	vlt.s32 v6, $0x3FF;
	v17 =	vld [tilespmem:s29+$0x20];
	v14 =	vmul.f32 v14, v4  }
0xe3: {  	vm1 =	vlt.s32 v5, $0x3FF;
	v19 =	vld [tilespmem:s29+$0xFFFFFFC0];
	v15 =	vmul.f32 v15, v4;
	v11 =	vsub.f32 v11, v3  }
0xe4: {  	v21 =	vnsel vm6, $0x3FF, v22;
	v12 =	vsub.f32 v12, v3;
	v14 =	vtrunc.f32 v14;
	[tilespmem:v9+s19+$0x0] =	vst.idx.add.f32.msk $0xffff, v1  }
0xe5: {  	v9 =	vmul.f32 v11, v4;
	v13 =	vsub.f32 v13, v3;
	v14 =	vcvt.f32.s32 v14;
	[tilespmem:v10+s19+$0x0] =	vst.idx.add.f32.msk $0xffff, v1  }
.Ltmp3:
0xe6: {  	v11 =	vtrunc.f32 v15;
	v10 =	vmul.f32 v12, v4;
	v12 =	vsub.f32 v16, v3;
	[tilespmem:v20+s19+$0x0] =	vst.idx.add.f32.msk $0xffff, v1;
	(pc) =	sbr.rel @p0 .LBB2_9-.Ltmp3, $4  }
0xe7: {  	v15 =	vmul.f32 v13, v4;
	v16 =	vsub.f32 v17, v3;
	vm6 =	vlt.s32 v14, $0x3FF;
	[tilespmem:v18+s19+$0x0] =	vst.idx.add.f32.msk $0xffff, v1  }
0xe8: {  	v18 =	vsub.f32 v19, v3;
	v17 =	vmul.f32 v12, v4;
	v12 =	vnsel vm6, $0x3FF, v14;
	[tilespmem:v24+s19+$0x0] =	vst.idx.add.f32.msk $0xffff, v1  }
0xe9: {  	v13 =	vtrunc.f32 v9;
	v9 =	vnsel vm4, $0x3FF, v23;
	v16 =	vmul.f32 v16, v4;
	[tilespmem:v21+s19+$0x0] =	vst.idx.add.f32.msk $0xffff, v1  }
0xea: {  	s29 =	sadd.s32 $0x80, s29;
	v14 =	vtrunc.f32 v10;
	v10 =	vnsel vm5, $0x3FF, v25;
	v18 =	vmul.f32 v18, v4;
	[tilespmem:v26+s19+$0x0] =	vst.idx.add.f32.msk $0xffff, v1  }
0xeb: {  	_ =	sdelay $0x1  }
0xec: {  	v15 =	vtrunc.f32 v15;
	v7 =	vnsel vm2, $0x3FF, v7;
	v18 =	vtrunc.f32 v18  }
0xed: {  	v8 =	vnsel vm3, $0x3FF, v8;
	v17 =	vtrunc.f32 v17;
	v18 =	vcvt.f32.s32 v18  }
0xee: {  	v11 =	vcvt.f32.s32 v11;
	[tilespmem:v12+s19+$0x0] =	vst.idx.add.f32.msk $0xffff, v1;
	v6 =	vnsel vm0, $0x3FF, v6;
	v13 =	vcvt.f32.s32 v13  }
0xef: {  	v12 =	vtrunc.f32 v16;
	[tilespmem:v9+s19+$0x0] =	vst.idx.add.f32.msk $0xffff, v1;
	v5 =	vnsel vm1, $0x3FF, v5;
	vm0 =	vlt.s32 v18, $0x3FF  }
0xf0: {  	v9 =	vcvt.f32.s32 v14;
	[tilespmem:v10+s19+$0x0] =	vst.idx.add.f32.msk $0xffff, v1;
	vm1 =	vlt.s32 v13, $0x3FF;
	v16 =	vnsel vm0, $0x3FF, v18  }
0xf1: {  	v10 =	vcvt.f32.s32 v15;
	vm0 =	vlt.s32 v11, $0x3FF;
	[tilespmem:v7+s19+$0x0] =	vst.idx.add.f32.msk $0xffff, v1;
	v7 =	vnsel vm1, $0x3FF, v13  }
0xf2: {  	v12 =	vcvt.f32.s32 v12;
	[tilespmem:v8+s19+$0x0] =	vst.idx.add.f32.msk $0xffff, v1;
	v8 =	vnsel vm0, $0x3FF, v11;
	vm0 =	vlt.s32 v9, $0x3FF  }
0xf3: {  	vm1 =	vlt.s32 v10, $0x3FF;
	[tilespmem:v6+s19+$0x0] =	vst.idx.add.f32.msk $0xffff, v1;
	v11 =	vcvt.f32.s32 v17;
	v6 =	vnsel vm0, $0x3FF, v9  }
0xf4: {  	[tilespmem:v5+s19+$0x0] =	vst.idx.add.f32.msk $0xffff, v1;
	v9 =	vnsel vm1, $0x3FF, v10;
	vm1 =	vlt.s32 v12, $0x3FF  }
0xf5: {  	vm0 =	vlt.s32 v11, $0x3FF;
	v10 =	vnsel vm1, $0x3FF, v12;
	[tilespmem:v16+s19+$0x0] =	vst.idx.add.f32.msk $0xffff, v1  }
0xf6: {  	v5 =	vnsel vm0, $0x3FF, v11;
	[tilespmem:v7+s19+$0x0] =	vst.idx.add.f32.msk $0xffff, v1  }
0xf7: {  	[tilespmem:v8+s19+$0x0] =	vst.idx.add.f32.msk $0xffff, v1  }
0xf8: {  	[tilespmem:v6+s19+$0x0] =	vst.idx.add.f32.msk $0xffff, v1  }
0xf9: {  	[tilespmem:v9+s19+$0x0] =	vst.idx.add.f32.msk $0xffff, v1  }
0xfa: {  	[tilespmem:v10+s19+$0x0] =	vst.idx.add.f32.msk $0xffff, v1  }
0xfb: {  	s0 =	simm.s32 $0x6040;
	[tilespmem:v5+s19+$0x0] =	vst.idx.add.f32.msk $0xffff, v1  }
0xfc: {  	v5 =	vld [tilespmem:s0+$0x30]  }
0xfd: {  	v6 =	vld [tilespmem:s0+$0xFFFFFFD0]  }
0xfe: {  	v7 =	vld [tilespmem:s0+$0xFFFFFFE0]  }
0xff: {  	v8 =	vld [tilespmem:s0+$0xFFFFFFF0]  }
0x100: {  	v9 =	vld [tilespmem:s0+$0x0]  }
0x101: {  	v10 =	vld [tilespmem:s0+$0x10]  }
0x102: {  	v11 =	vld [tilespmem:s0+$0x20]  }
0x103: {  	s31 =	simm.s32 $0x60C0;
	v12 =	vld [tilespmem:s0+$0xFFFFFFC0]  }
0x104: {  	v13 =	vld [tilespmem:s31+$0x30];
	v5 =	vsub.f32 v5, v3  }
0x105: {  	v15 =	vld [tilespmem:s31+$0xFFFFFFE0];
	v6 =	vsub.f32 v6, v3;
	v7 =	vsub.f32 v7, v3  }
0x106: {  	v8 =	vsub.f32 v8, v3;
	v9 =	vsub.f32 v9, v3  }
0x107: {  	v10 =	vsub.f32 v10, v3;
	v11 =	vsub.f32 v11, v3  }
0x108: {  	v12 =	vsub.f32 v12, v3;
	v5 =	vmul.f32 v5, v4;
	v6 =	vmul.f32 v6, v4  }
0x109: {  	v13 =	vsub.f32 v13, v3;
	v7 =	vmul.f32 v7, v4;
	v8 =	vmul.f32 v8, v4  }
0x10a: {  	v15 =	vsub.f32 v15, v3;
	v9 =	vmul.f32 v9, v4;
	v10 =	vmul.f32 v10, v4  }
0x10b: {  	v11 =	vmul.f32 v11, v4;
	v12 =	vmul.f32 v12, v4  }
0x10c: {  	v13 =	vmul.f32 v13, v4;
	v22 =	vmul.f32 v15, v4  }
0x10d: {  	v5 =	vtrunc.f32 v5;
	v6 =	vtrunc.f32 v6  }
0x10e: {  	v7 =	vtrunc.f32 v7;
	v8 =	vtrunc.f32 v8  }
0x10f: {  	v20 =	vld [tilespmem:s31+$0xFFFFFFC0];
	v9 =	vtrunc.f32 v9;
	v10 =	vtrunc.f32 v10  }
0x110: {  	v14 =	vld [tilespmem:s31+$0xFFFFFFD0];
	v12 =	vtrunc.f32 v12;
	v11 =	vtrunc.f32 v11  }
0x111: {  	v13 =	vtrunc.f32 v13;
	v5 =	vcvt.f32.s32 v5  }
0x112: {  	v12 =	vcvt.f32.s32 v12;
	v18 =	vcvt.f32.s32 v6  }
0x113: {  	v19 =	vcvt.f32.s32 v7;
	v7 =	vcvt.f32.s32 v9;
	v9 =	vld [tilespmem:s31+$0x0]  }
0x114: {  	v20 =	vsub.f32 v20, v3;
	v8 =	vcvt.f32.s32 v8;
	v6 =	vcvt.f32.s32 v10  }
0x115: {  	v17 =	vld [tilespmem:s31+$0xFFFFFFF0];
	v10 =	vsub.f32 v14, v3;
	v13 =	vcvt.f32.s32 v13;
	vm0 =	vlt.s32 v5, $0x3FF  }
0x116: {  	vm1 =	vlt.s32 v12, $0x3FF;
	v16 =	vnsel vm0, $0x3FF, v5;
	v5 =	vcvt.f32.s32 v11;
	v11 =	vld [tilespmem:s31+$0x10]  }
0x117: {  	v14 =	vld [tilespmem:s31+$0x20];
	vm4 =	vlt.s32 v18, $0x3FF;
	vm5 =	vlt.s32 v19, $0x3FF;
	vm3 =	vlt.s32 v8, $0x3FF  }
0x118: {  	vm2 =	vlt.s32 v7, $0x3FF;
	v10 =	vmul.f32 v10, v4;
	v9 =	vsub.f32 v9, v3  }
0x119: {  	vm0 =	vlt.s32 v6, $0x3FF;
	v21 =	vnsel vm1, $0x3FF, v12;
	vm1 =	vlt.s32 v13, $0x3FF  }
0x11a: {  	v12 =	vnsel vm1, $0x3FF, v13;
	v13 =	vsub.f32 v17, v3;
	v15 =	vmul.f32 v9, v4  }
0x11b: {  	v9 =	vnsel vm4, $0x3FF, v18;
	v18 =	vmul.f32 v20, v4;
	v17 =	vsub.f32 v11, v3  }
0x11c: {  	v14 =	vsub.f32 v14, v3;
	v11 =	vtrunc.f32 v10;
	v10 =	vmul.f32 v13, v4  }
0x11d: {  	vm1 =	vlt.s32 v5, $0x3FF;
	[tilespmem:v16+s19+$0x0] =	vst.idx.add.f32.msk $0xffff, v2;
	v13 =	vtrunc.f32 v22;
	v17 =	vmul.f32 v17, v4  }
0x11e: {  	s28 =	simm.s32 $0x80;
	s29 =	simm.s32 $0x6140;
	v16 =	vmul.f32 v14, v4;
	[tilespmem:v21+s19+$0x0] =	vst.idx.add.f32.msk $0xffff, v2;
	v14 =	vtrunc.f32 v10;
	v10 =	vnsel vm5, $0x3FF, v19  }
.LBB2_11:
0x11f: {  	v19 =	vld [tilespmem:s29+$0x30];
	s28 =	sadd.s32 $0x80, s28;
	v15 =	vtrunc.f32 v15;
	v17 =	vtrunc.f32 v17;
	v20 =	vnsel vm3, $0x3FF, v8  }
0x120: {  	v16 =	vtrunc.f32 v16;
	v21 =	vld [tilespmem:s29+$0xFFFFFFD0];
	p0 =	slt.u32 s28, $0x1F80;
	v8 =	vtrunc.f32 v18;
	v18 =	vnsel vm2, $0x3FF, v7  }
0x121: {  	v23 =	vcvt.f32.s32 v11;
	v24 =	vnsel vm0, $0x3FF, v6;
	v22 =	vcvt.f32.s32 v8;
	[tilespmem:v12+s19+$0x0] =	vst.idx.add.f32.msk $0xffff, v2  }
0x122: {  	v25 =	vcvt.f32.s32 v13;
	v26 =	vnsel vm1, $0x3FF, v5;
	v8 =	vcvt.f32.s32 v14;
	v11 =	vld [tilespmem:s29+$0xFFFFFFE0]  }
0x123: {  	v7 =	vcvt.f32.s32 v15;
	v6 =	vcvt.f32.s32 v17;
	v12 =	vld [tilespmem:s29+$0xFFFFFFF0];
	vm6 =	vlt.s32 v22, $0x3FF  }
0x124: {  	v5 =	vcvt.f32.s32 v16;
	vm4 =	vlt.s32 v23, $0x3FF;
	v13 =	vld [tilespmem:s29+$0x0];
	v14 =	vsub.f32 v19, v3  }
0x125: {  	vm5 =	vlt.s32 v25, $0x3FF;
	vm3 =	vlt.s32 v8, $0x3FF;
	v15 =	vsub.f32 v21, v3;
	v16 =	vld [tilespmem:s29+$0x10]  }
0x126: {  	vm2 =	vlt.s32 v7, $0x3FF;
	vm0 =	vlt.s32 v6, $0x3FF;
	v17 =	vld [tilespmem:s29+$0x20];
	v14 =	vmul.f32 v14, v4  }
0x127: {  	vm1 =	vlt.s32 v5, $0x3FF;
	v19 =	vld [tilespmem:s29+$0xFFFFFFC0];
	v15 =	vmul.f32 v15, v4;
	v11 =	vsub.f32 v11, v3  }
0x128: {  	v21 =	vnsel vm6, $0x3FF, v22;
	v12 =	vsub.f32 v12, v3;
	v14 =	vtrunc.f32 v14;
	[tilespmem:v9+s19+$0x0] =	vst.idx.add.f32.msk $0xffff, v2  }
0x129: {  	v9 =	vmul.f32 v11, v4;
	v13 =	vsub.f32 v13, v3;
	v14 =	vcvt.f32.s32 v14;
	[tilespmem:v10+s19+$0x0] =	vst.idx.add.f32.msk $0xffff, v2  }
.Ltmp4:
0x12a: {  	v11 =	vtrunc.f32 v15;
	v10 =	vmul.f32 v12, v4;
	v12 =	vsub.f32 v16, v3;
	[tilespmem:v20+s19+$0x0] =	vst.idx.add.f32.msk $0xffff, v2;
	(pc) =	sbr.rel @p0 .LBB2_11-.Ltmp4, $4  }
0x12b: {  	v15 =	vmul.f32 v13, v4;
	v16 =	vsub.f32 v17, v3;
	vm6 =	vlt.s32 v14, $0x3FF;
	[tilespmem:v18+s19+$0x0] =	vst.idx.add.f32.msk $0xffff, v2  }
0x12c: {  	v18 =	vsub.f32 v19, v3;
	v17 =	vmul.f32 v12, v4;
	v12 =	vnsel vm6, $0x3FF, v14;
	[tilespmem:v24+s19+$0x0] =	vst.idx.add.f32.msk $0xffff, v2  }
0x12d: {  	v13 =	vtrunc.f32 v9;
	v9 =	vnsel vm4, $0x3FF, v23;
	v16 =	vmul.f32 v16, v4;
	[tilespmem:v21+s19+$0x0] =	vst.idx.add.f32.msk $0xffff, v2  }
0x12e: {  	s29 =	sadd.s32 $0x80, s29;
	v14 =	vtrunc.f32 v10;
	v10 =	vnsel vm5, $0x3FF, v25;
	v18 =	vmul.f32 v18, v4;
	[tilespmem:v26+s19+$0x0] =	vst.idx.add.f32.msk $0xffff, v2  }
0x12f: {  	_ =	sdelay $0x1  }
0x130: {  	v8 =	vnsel vm3, $0x3FF, v8;
	v15 =	vtrunc.f32 v15;
	v17 =	vtrunc.f32 v17  }
0x131: {  	v7 =	vnsel vm2, $0x3FF, v7;
	v11 =	vcvt.f32.s32 v11;
	v6 =	vnsel vm0, $0x3FF, v6  }
0x132: {  	[tilespmem:v12+s19+$0x0] =	vst.idx.add.f32.msk $0xffff, v2;
	v56 =	vtrunc.f32 v16;
	v5 =	vnsel vm1, $0x3FF, v5;
	v59 =	vcvt.f32.s32 v15  }
0x133: {  	[tilespmem:v9+s19+$0x0] =	vst.idx.add.f32.msk $0xffff, v2;
	v18 =	vtrunc.f32 v18;
	v12 =	vcvt.f32.s32 v56;
	vm10 =	vlt.s32 v11, $0x3FF  }
0x134: {  	[tilespmem:v10+s19+$0x0] =	vst.idx.add.f32.msk $0xffff, v2;
	v18 =	vcvt.f32.s32 v18;
	v60 =	vnsel vm10, $0x3FF, v11;
	vm13 =	vlt.s32 v59, $0x3FF  }
0x135: {  	v13 =	vcvt.f32.s32 v13;
	vm15 =	vlt.s32 v12, $0x3FF;
	v62 =	vnsel vm13, $0x3FF, v59;
	[tilespmem:v8+s19+$0x0] =	vst.idx.add.f32.msk $0xffff, v2  }
0x136: {  	v58 =	vcvt.f32.s32 v14;
	vm9 =	vlt.s32 v18, $0x3FF;
	v63 =	vnsel vm15, $0x3FF, v12;
	[tilespmem:v7+s19+$0x0] =	vst.idx.add.f32.msk $0xffff, v2  }
0x137: {  	v61 =	vcvt.f32.s32 v17;
	vm11 =	vlt.s32 v13, $0x3FF;
	v57 =	vnsel vm9, $0x3FF, v18;
	[tilespmem:v6+s19+$0x0] =	vst.idx.add.f32.msk $0xffff, v2  }
0x138: {  	vm12 =	vlt.s32 v58, $0x3FF;
	v7 =	vnsel vm11, $0x3FF, v13;
	[tilespmem:v5+s19+$0x0] =	vst.idx.add.f32.msk $0xffff, v2  }
0x139: {  	s26 =	sadd.s32 $0x1, s26;
	vm14 =	vlt.s32 v61, $0x3FF;
	v6 =	vnsel vm12, $0x3FF, v58;
	[tilespmem:v60+s19+$0x0] =	vst.idx.add.f32.msk $0xffff, v2  }
0x13a: {  	p0 =	sne.s32 s26, $0x10;
	v5 =	vnsel vm14, $0x3FF, v61;
	[tilespmem:v62+s19+$0x0] =	vst.idx.add.f32.msk $0xffff, v2  }
.Ltmp5:
0x13b: {  	[tilespmem:v63+s19+$0x0] =	vst.idx.add.f32.msk $0xffff, v2;
	(pc) =	sbr.rel @p0 .LBB2_4-.Ltmp5, $4  }
0x13c: {  	[tilespmem:v57+s19+$0x0] =	vst.idx.add.f32.msk $0xffff, v2  }
0x13d: {  	[tilespmem:v7+s19+$0x0] =	vst.idx.add.f32.msk $0xffff, v2  }
0x13e: {  	[tilespmem:v6+s19+$0x0] =	vst.idx.add.f32.msk $0xffff, v2  }
0x13f: {  	[tilespmem:v5+s19+$0x0] =	vst.idx.add.f32.msk $0xffff, v2  }
0x140: {  	s28 =	simm.s32 $0x0  }
0x141: {  	v3 =	vld [tilespmem:s28+$0x8000]  }
0x142: {  	s26 =	simm.s32 $0x10  }
0x143: {  	s29 =	simm.s32 $0x20;
	v4 =	vld [tilespmem:s26+$0x8000]  }
0x144: {  	v5 =	vld [tilespmem:s29+$0x8000];
	_ =	sdelay $0x1  }
0x145: {  	(xrf2) =	vadd.scan.msk.f32 $0xffff, v3;
	_ =	sdelay $0x1  }
0x146: {  	(xrf2) =	vadd.scan.msk.f32 $0xffff, v4  }
0x147: {  	(xrf2) =	vadd.scan.msk.f32 $0xffff, v5;
	_ =	sdelay $0x6  }
0x148: {  	v6, _, _ =	vpop (xrf2)  }
0x149: {  	(v2sf) =	vpush v6, $0xF  }
0x14a: {  	s30 =	simm.s32 $0x30;
	v3, _, _ =	vpop (xrf2)  }
0x14b: {  	v5 =	vld [tilespmem:s30+$0x8000];
	(v2sf) =	vpush v3, $0xF;
	v4, _, _ =	vpop (xrf2)  }
0x14c: {  	(v2sf) =	vpush v4, $0xF;
	_ =	sdelay $0x3  }
0x14d: {  	s31 =	simm.s32 $0x40;
	(xrf2) =	vadd.scan.msk.f32 $0xffff, v5  }
0x14e: {  	v5 =	vld [tilespmem:s31+$0x8000];
	_ =	sdelay $0x2  }
0x14f: {  	s0 =	simm.f32 $0.0e+00  }
0x150: {  	s3 =	simm.s32 $0x140;
	v6 =	vadd.f32 s0, v6  }
.LBB2_14:
0x151: {  	s12 =	sshra.s32 s3, $0x2;
	p0 =	sne.s32 s3, $0xFC0;
	s3 =	sadd.s32 $0x40, s3;
	(xrf2) =	vadd.scan.msk.f32 $0xffff, v5  }
.Ltmp6:
0x152: {  	v5 =	vld [tilespmem:s12+$0x8000];
	[tilespmem:s28+$0x8400] =	vst v6;
	s28 =	smov.u32 s26;
	s26 =	smov.u32 s29;
	(pc) =	sbr.rel @p0 .LBB2_14-.Ltmp6, $4  }
0x153: {  	s29 =	smov.u32 s30;
	s30 =	smov.u32 s31;
	s14 =	spop (v2sf)  }
0x154: {  	s31 =	smov.u32 s12;
	s0 =	sadd.f32 s14, s0  }
0x155: {  	v7, _, _ =	vpop (xrf2)  }
0x156: {  	(v2sf) =	vpush v7, $0xF;
	v6 =	vadd.f32 s0, v3;
	v3 =	vmovc v4;
	v4 =	vmov v7  }
0x157: {  	(xrf2) =	vadd.scan.msk.f32 $0xffff, v5;
	_ =	sdelay $0x4  }
0x158: {  	v62, _, _ =	vpop (xrf2)  }
0x159: {  	(v2sf) =	vpush v62, $0xF;
	_ =	sdelay $0x3  }
0x15a: {  	v7, _, _ =	vpop (xrf2)  }
0x15b: {  	(v2sf) =	vpush v7, $0xF;
	_ =	sdelay $0x3  }
0x15c: {  	s3 =	spop (v2sf)  }
0x15d: {  	s0 =	sadd.f32 s3, s0  }
0x15e: {  	s12 =	spop (v2sf)  }
0x15f: {  	s3 =	sadd.f32 s12, s0  }
0x160: {  	s12 =	spop (v2sf)  }
0x161: {  	s12 =	sadd.f32 s12, s3  }
0x162: {  	v3 =	vadd.f32 s0, v3;
	s14 =	spop (v2sf)  }
0x163: {  	[tilespmem:s28+$0x8400] =	vst v6;
	v4 =	vadd.f32 s3, v4;
	s0 =	sadd.f32 s14, s12  }
0x164: {  	[tilespmem:s26+$0x8400] =	vst v3;
	v3 =	vadd.f32 s12, v62  }
0x165: {  	s25 =	sadd.s32 $0x1, s25;
	[tilespmem:s29+$0x8400] =	vst v4;
	v63 =	vadd.f32 s0, v7  }
0x166: {  	p0 =	sne.s32 s25, s11;
	[tilespmem:s30+$0x8400] =	vst v3  }
.Ltmp7:
0x167: {  	[tilespmem:s31+$0x8400] =	vst v63;
	s31 =	spop (v2sf);
	(pc) =	sbr.rel @p0 .LBB2_1-.Ltmp7, $4  }
0x168: {  	[hbm4b:s10+s22] =	stream.strided.scatter [tilespmem:s24], [sflag:$0x5], $0x400, s23, s22, $0x38;
	[tilespmem:$0x8900] =	vst v63  }
0x169: {  	_ =	swait.ge [sflag:s13], $0x400  }
0x16a: {  	[sflag:s13] =	ssyncset.done $0x0  }
0x16b: {  	[sflag:s13] =	ssyncadd.s32 $0xFFFFFC00  }
0x16c: {  	_ =	sfence.sel $0x180000  }
0x16d: {  	[bflag:$0x0] =	sbarrier.arrive $0xFFFF  }
0x16e: {  	_ =	strace $0x90000047  }
0x16f: {  	s0 =	stileid.u32;
	[bflag:$0x2] =	sbarrier.arrive $0xFFFF  }
0x170: {  	p0 =	sne.s32 s0, $0x0;
	s0 =	rddreg [dreg:$0x3]  }
0x171: {  	s0 =	sadd.s32 @!p0 $0x100000, s0  }
0x172: {  	[sflag:s0] =	ssyncadd.tile.s32 @!p0 $0x1;
	_ =	shalt  }
.Lfunc_end2:
_tile_overlayer_lowered:
.L_overlay_start_2:
0x173: {  	(tag) =	ssettag $0x2  }
0x174: {  	s0 =	rddreg [dreg:$0x0];
	s2 =	stileid.u32  }
0x175: {  	s1 =	rddreg [dreg:$0x1];
	p0 =	sne.s32 s2, $0x0  }
0x176: {  	s3 =	rddreg [dreg:$0x2];
	[bflag:$0x3] =	sbarrier.arrive $0xFFFF;
	s2 =	simm.s32 @!p0 $0x1C05  }
0x177: {  	[timem:s3], [sflag:s2] =	dma.local @!p0 [hbm:s0], s1  }
0x178: {  	s0 =	simm.s32 @!p0 $0x5  }
0x179: {  	_ =	swait.ge @!p0 [sflag:s0], s1  }
0x17a: {  	s1 =	ssub.s32 @!p0 $0x0, s1;
	[sflag:s0] =	ssyncset.done @!p0 $0x0  }
0x17b: {  	[sflag:s0] =	ssyncadd.s32 @!p0 s1  }
0x17c: {  	[bflag:$0x3] =	sbarrier.arrive $0xFFFF  }
0x17d: {  	_ =	shalt  }

</sc_bundles>
